<compile_context>
chip_gen: v7x
topology: tpu7x:2x2x1
jax: 0.10.2.dev20260603
libtpu: 0.0.44.dev20260713+nightly
codegen_flags: <defaults>
</compile_context>

<pallas_src>
import functools

import jax
import jax.numpy as jnp
from jax import lax
from jax.experimental import pallas as pl
from jax.experimental.pallas import tpu as pltpu
from jax.experimental.pallas import tpu_sc as plsc

F = 128
FP = F // 2
N_NBR = 64


_NUM_WORKERS = 32
_GATHER_CHUNK = 128
_NBUF = 8
_LOOKAHEAD = 2


def _sc_gather_body(rows_per_w, table_hbm, idx_hbm, out_hbm, tbl_s, idx_v,
                    b0, b1, b2, b3, b4, b5, b6, b7,
                    g0, g1, g2, g3, g4, g5, g6, g7,
                    o0, o1, o2, o3, o4, o5, o6, o7):
    bufs = [b0, b1, b2, b3, b4, b5, b6, b7]
    gsems = [g0, g1, g2, g3, g4, g5, g6, g7]
    osems = [o0, o1, o2, o3, o4, o5, o6, o7]
    sid = lax.axis_index("s")
    wid = sid * 2 + lax.axis_index("c")
    base = wid * rows_per_w

    @pl.when(sid == 0)
    def _():
        pltpu.sync_copy(table_hbm, tbl_s)

    pltpu.sync_copy(idx_hbm.at[pl.ds(base, rows_per_w)], idx_v)
    plsc.subcore_barrier()

    C = _GATHER_CHUNK
    nchunks = rows_per_w // C
    ngroups = nchunks // _NBUF

    def start_gather(chunk, b):
        pltpu.async_copy(
            tbl_s.at[idx_v.at[pl.ds(chunk * C, C)]], bufs[b], gsems[b]
        )

    def wait_gather(b):
        pltpu.make_async_copy(
            tbl_s.at[idx_v.at[pl.ds(0, C)]], bufs[b], gsems[b]
        ).wait()

    def start_out(chunk, b):
        pltpu.async_copy(
            bufs[b], out_hbm.at[pl.ds(base + chunk * C, C)], osems[b]
        )

    def wait_out(b):
        pltpu.make_async_copy(
            bufs[b], out_hbm.at[pl.ds(base, C)], osems[b]
        ).wait()

    for b in range(_LOOKAHEAD):
        start_gather(b, b)

    for b in range(_NBUF):
        bn = (b + _LOOKAHEAD) % _NBUF
        if b + _LOOKAHEAD >= _NBUF:
            wait_out(bn)
        start_gather(b + _LOOKAHEAD, bn)
        wait_gather(b)
        start_out(b, b)

    def group(g, carry):
        for b in range(_NBUF):
            i = g * _NBUF + b
            bn = (b + _LOOKAHEAD) % _NBUF
            wait_out(bn)
            start_gather(i + _LOOKAHEAD, bn)
            wait_gather(b)
            start_out(i, b)
        return carry

    lax.fori_loop(1, ngroups - 1, group, 0)

    for b in range(_NBUF):
        i = (ngroups - 1) * _NBUF + b
        if b < _NBUF - _LOOKAHEAD:
            bn = (b + _LOOKAHEAD) % _NBUF
            wait_out(bn)
            start_gather(i + _LOOKAHEAD, bn)
        wait_gather(b)
        start_out(i, b)

    for b in range(_NBUF):
        wait_out(b)


def _sc_gather(table, idx):
    m = idx.shape[0]
    rows_per_w = m // _NUM_WORKERS
    mesh = plsc.VectorSubcoreMesh(core_axis_name="c", subcore_axis_name="s")
    kern = functools.partial(
        pl.kernel,
        mesh=mesh,
        compiler_params=pltpu.CompilerParams(
            use_tc_tiling_on_sc=False, needs_layout_passes=False
        ),
        out_type=jax.ShapeDtypeStruct((m, FP), jnp.int32),
        scratch_types=(
            [pltpu.VMEM_SHARED(table.shape, jnp.int32),
             pltpu.VMEM((rows_per_w,), jnp.int32)]
            + [pltpu.VMEM((_GATHER_CHUNK, FP), jnp.int32)] * _NBUF
            + [pltpu.SemaphoreType.DMA] * (2 * _NBUF)
        ),
    )(functools.partial(_sc_gather_body, rows_per_w))
    return kern(table, idx)



_ROWS_PER_BLOCK = 2048


def _tc_body(rbf_ref, gath_ref, w1_ref, b1_ref, w2_ref, b2_ref, nf_ref,
             out_ref, attn_ref):
    rows = rbf_ref.shape[0]
    atoms = rows // N_NBR
    x = rbf_ref[...].astype(jnp.bfloat16)
    h = jnp.tanh(
        jnp.dot(x, w1_ref[...], preferred_element_type=jnp.float32)
        + b1_ref[...]
    )
    filt = (
        jnp.dot(h.astype(jnp.bfloat16), w2_ref[...],
                preferred_element_type=jnp.float32)
        + b2_ref[...]
    )
    gi = gath_ref[...].reshape(rows // 2, F)
    hi_mask = jnp.int32(-65536)
    ga = gi[:, :FP]
    gb = gi[:, FP:]
    g_even = jnp.concatenate(
        [jax.lax.bitcast_convert_type(ga << 16, jnp.float32),
         jax.lax.bitcast_convert_type(ga & hi_mask, jnp.float32)], axis=1)
    g_odd = jnp.concatenate(
        [jax.lax.bitcast_convert_type(gb << 16, jnp.float32),
         jax.lax.bitcast_convert_type(gb & hi_mask, jnp.float32)], axis=1)
    g = jnp.concatenate([g_even, g_odd], axis=0)
    fg = filt * g
    fg3 = fg.reshape(atoms, N_NBR, F)
    logits = jnp.sum(fg3 * nf_ref[...].reshape(1, 1, F), axis=2)
    e = jnp.exp(logits)
    attn = e / jnp.sum(e, axis=1, keepdims=True)
    out_ref[...] = jnp.sum(fg3 * attn[:, :, None], axis=1)
    attn_ref[...] = attn


def _tc_forward(rbf2, gath, w1, b1, w2, b2, nf):
    rows = rbf2.shape[0]
    nblocks = rows // _ROWS_PER_BLOCK
    atoms_per_block = _ROWS_PER_BLOCK // N_NBR
    return pl.pallas_call(
        _tc_body,
        grid=(nblocks,),
        in_specs=[
            pl.BlockSpec((_ROWS_PER_BLOCK, F), lambda i: (i, 0)),
            pl.BlockSpec((_ROWS_PER_BLOCK * FP,), lambda i: (i,)),
            pl.BlockSpec((F, F), lambda i: (0, 0)),
            pl.BlockSpec((1, F), lambda i: (0, 0)),
            pl.BlockSpec((F, F), lambda i: (0, 0)),
            pl.BlockSpec((1, F), lambda i: (0, 0)),
            pl.BlockSpec((1, F), lambda i: (0, 0)),
        ],
        out_specs=[
            pl.BlockSpec((atoms_per_block, F), lambda i: (i, 0)),
            pl.BlockSpec((atoms_per_block, N_NBR), lambda i: (i, 0)),
        ],
        out_shape=[
            jax.ShapeDtypeStruct((rows // N_NBR, F), jnp.float32),
            jax.ShapeDtypeStruct((rows // N_NBR, N_NBR), jnp.float32),
        ],
    )(rbf2, gath, w1, b1, w2, b2, nf)




def kernel(features, rbf_expansion, neighbor_list, W1, b1, W2, b2, nbr_filter):
    B, A, Fd = features.shape
    Nn = neighbor_list.shape[2]
    fb = features.astype(jnp.bfloat16)
    lo_u = jax.lax.bitcast_convert_type(
        fb[..., : Fd // 2], jnp.uint16
    ).astype(jnp.uint32)
    hi_u = jax.lax.bitcast_convert_type(
        fb[..., Fd // 2 :], jnp.uint16
    ).astype(jnp.uint32)
    table = jax.lax.bitcast_convert_type(
        lo_u | (hi_u << 16), jnp.int32
    ).reshape(B * A, Fd // 2)
    idx = (
        neighbor_list + (jnp.arange(B, dtype=jnp.int32) * A)[:, None, None]
    ).reshape(B * A * Nn)
    half = _ROWS_PER_BLOCK // 2
    idx = idx.reshape(-1, 2, half).transpose(0, 2, 1).reshape(-1)
    gath = _sc_gather(table, idx).reshape(-1)
    rbf2 = rbf_expansion.reshape(B * A * Nn, -1)
    out2, attn2 = _tc_forward(
        rbf2,
        gath,
        W1.astype(jnp.bfloat16),
        b1.reshape(1, Fd),
        W2.astype(jnp.bfloat16),
        b2.reshape(1, Fd),
        nbr_filter.reshape(1, Fd),
    )
    return out2.reshape(B, A, Fd), attn2.reshape(B, A, Nn)

# --- scband reference (transcript-rebuilt; emitter-appended) ---
"""Pipeline reference for scband-continuous-filter-conv-65678639891011 (READ-ONLY COPY).

The authoritative reference and input builder live on the scoring server;
editing this copy changes nothing except your own understanding.
"""

import jax, jax.numpy as jnp
import numpy as np

B, A, N, G, F = 8, 1024, 64, 128, 128

def setup_inputs(seed: int = 0) -> dict:
    key = jax.random.key(seed)
    ks = jax.random.split(key, 8)
    features = jax.random.normal(ks[0], (B, A, F), dtype=jnp.float32)
    rbf_expansion = jax.random.normal(ks[1], (B, A, N, G), dtype=jnp.float32)
    neighbor_list = jax.random.randint(ks[2], (B, A, N), 0, A, dtype=jnp.int32)
    W1 = jax.random.normal(ks[3], (G, F), dtype=jnp.float32) * 0.05
    b1 = jnp.zeros((F,), dtype=jnp.float32)
    W2 = jax.random.normal(ks[4], (F, F), dtype=jnp.float32) * 0.05
    b2 = jnp.zeros((F,), dtype=jnp.float32)
    nbr_filter = jax.random.normal(ks[5], (F, 1), dtype=jnp.float32) * 0.05
    return {"features": features, "rbf_expansion": rbf_expansion, "neighbor_list": neighbor_list, "W1": W1, "b1": b1, "W2": W2, "b2": b2, "nbr_filter": nbr_filter}


def reference(features, rbf_expansion, neighbor_list, W1, b1, W2, b2, nbr_filter):
    Bs, Na, Fd = features.shape
    Nn = neighbor_list.shape[2]
    # filter_generator: Linear -> tanh -> Linear
    h = jnp.tanh(jnp.dot(rbf_expansion, W1) + b1)
    filters = jnp.dot(h, W2) + b2  # [B, A, N, F]
    # gather neighbor features along atom axis
    idx = neighbor_list.reshape(Bs, Na * Nn, 1)
    neighbor_features = jnp.take_along_axis(features, idx, axis=1)  # [B, A*N, F]
    neighbor_features = neighbor_features.reshape(Bs, Na, Nn, Fd)
    filtered_features = neighbor_features * filters
    # attention over neighbors
    attention = jnp.squeeze(jnp.matmul(filtered_features, nbr_filter), -1)  # [B, A, N]
    attention = jax.nn.softmax(attention, axis=-1)
    output = jnp.einsum('bij,bijc->bic', attention, filtered_features)  # [B, A, F]
    return (output, attention)

if __name__ == "__main__":
    import jax
    _d = setup_inputs()
    print(jax.jit(kernel)(*tuple(_d.values())))

</pallas_src>

<mosaic_0001>
#map = affine_map<(d0, d1) -> (0, 0)>
#map1 = affine_map<(d0, d1) -> (0)>
module attributes {stable_mosaic.version = 14 : i64} {
  func.func @_sc_gather_body(%arg0: i32, %arg1: i32, %arg2: memref<8192x64xi32, #tpu.memory_space<hbm>>, %arg3: memref<524288xi32, #tpu.memory_space<hbm>>, %arg4: memref<524288x64xi32, #tpu.memory_space<hbm>>, %arg5: memref<8192x64xi32, #tpu.memory_space<vmem_shared>>, %arg6: memref<16384xi32, #tpu.memory_space<vmem>>, %arg7: memref<128x64xi32, #tpu.memory_space<vmem>>, %arg8: memref<128x64xi32, #tpu.memory_space<vmem>>, %arg9: memref<128x64xi32, #tpu.memory_space<vmem>>, %arg10: memref<128x64xi32, #tpu.memory_space<vmem>>, %arg11: memref<128x64xi32, #tpu.memory_space<vmem>>, %arg12: memref<128x64xi32, #tpu.memory_space<vmem>>, %arg13: memref<128x64xi32, #tpu.memory_space<vmem>>, %arg14: memref<128x64xi32, #tpu.memory_space<vmem>>, %arg15: memref<!tpu.dma_semaphore, #tpu.memory_space<semaphore_mem>>, %arg16: memref<!tpu.dma_semaphore, #tpu.memory_space<semaphore_mem>>, %arg17: memref<!tpu.dma_semaphore, #tpu.memory_space<semaphore_mem>>, %arg18: memref<!tpu.dma_semaphore, #tpu.memory_space<semaphore_mem>>, %arg19: memref<!tpu.dma_semaphore, #tpu.memory_space<semaphore_mem>>, %arg20: memref<!tpu.dma_semaphore, #tpu.memory_space<semaphore_mem>>, %arg21: memref<!tpu.dma_semaphore, #tpu.memory_space<semaphore_mem>>, %arg22: memref<!tpu.dma_semaphore, #tpu.memory_space<semaphore_mem>>, %arg23: memref<!tpu.dma_semaphore, #tpu.memory_space<semaphore_mem>>, %arg24: memref<!tpu.dma_semaphore, #tpu.memory_space<semaphore_mem>>, %arg25: memref<!tpu.dma_semaphore, #tpu.memory_space<semaphore_mem>>, %arg26: memref<!tpu.dma_semaphore, #tpu.memory_space<semaphore_mem>>, %arg27: memref<!tpu.dma_semaphore, #tpu.memory_space<semaphore_mem>>, %arg28: memref<!tpu.dma_semaphore, #tpu.memory_space<semaphore_mem>>, %arg29: memref<!tpu.dma_semaphore, #tpu.memory_space<semaphore_mem>>, %arg30: memref<!tpu.dma_semaphore, #tpu.memory_space<semaphore_mem>>) attributes {dimension_semantics = [#tpu.dimension_semantics<core_parallel>, #tpu.dimension_semantics<subcore_parallel>], iteration_bounds = array<i64: 2, 16>, scalar_prefetch = 0 : i64, scratch_operands = 26 : i64, tpu.core_type = #tpu.core_type<sc_vector_subcore>, window_params = [{transform_indices = #map}, {transform_indices = #map1}, {transform_indices = #map}]} {
    %mul3A = arith.constant 2 : i32
    %mul3A_0 = arith.muli %arg1, %mul3A : i32
    %add3A = arith.addi %mul3A_0, %arg0 : i32
    %mul3A_1 = arith.constant 16384 : i32
    %mul3A_2 = arith.muli %add3A, %mul3A_1 : i32
    %eq3A = arith.constant 0 : i32
    %eq3A_3 = arith.cmpi eq, %arg1, %eq3A : i32
    %convert_element_type3A = arith.extui %eq3A_3 : i1 to i32
    %cond3A = arith.constant 0 : i32
    %cond3A_4 = arith.cmpi ne, %convert_element_type3A, %cond3A : i32
    scf.if %cond3A_4 {
      "tpu.region"() ({
        %run_scoped3A = tpu.sem_alloc : memref<!tpu.dma_semaphore, #tpu.memory_space<semaphore_mem>>
        tpu.enqueue_dma source(%arg2 : memref<8192x64xi32, #tpu.memory_space<hbm>>) target(%arg5 : memref<8192x64xi32, #tpu.memory_space<vmem_shared>>) target_semaphore(%run_scoped3A : memref<!tpu.dma_semaphore, #tpu.memory_space<semaphore_mem>>)
        tpu.wait_dma2 semaphore(%run_scoped3A : memref<!tpu.dma_semaphore, #tpu.memory_space<semaphore_mem>>) src(%arg2 : memref<8192x64xi32, #tpu.memory_space<hbm>>) dst(%arg5 : memref<8192x64xi32, #tpu.memory_space<vmem_shared>>)
        tpu.yield
      }) : () -> ()
    } else {
    }
    "tpu.region"() ({
      %run_scoped3A = tpu.sem_alloc : memref<!tpu.dma_semaphore, #tpu.memory_space<semaphore_mem>>
      %dma_start3A_328 = tpu.memref_slice %arg3[%mul3A_2] : memref<524288xi32, #tpu.memory_space<hbm>> -> memref<16384xi32, #tpu.memory_space<hbm>>
      %dma_start3A_329 = tpu.memref_slice %arg3[%mul3A_2] : memref<524288xi32, #tpu.memory_space<hbm>> -> memref<16384xi32, #tpu.memory_space<hbm>>
      tpu.enqueue_dma source(%dma_start3A_329 : memref<16384xi32, #tpu.memory_space<hbm>>) target(%arg6 : memref<16384xi32, #tpu.memory_space<vmem>>) target_semaphore(%run_scoped3A : memref<!tpu.dma_semaphore, #tpu.memory_space<semaphore_mem>>)
      %dma_wait3A_330 = tpu.memref_slice %arg3[%mul3A_2] : memref<524288xi32, #tpu.memory_space<hbm>> -> memref<16384xi32, #tpu.memory_space<hbm>>
      %dma_wait3A_331 = tpu.memref_slice %arg3[%mul3A_2] : memref<524288xi32, #tpu.memory_space<hbm>> -> memref<16384xi32, #tpu.memory_space<hbm>>
      tpu.wait_dma2 semaphore(%run_scoped3A : memref<!tpu.dma_semaphore, #tpu.memory_space<semaphore_mem>>) src(%dma_wait3A_331 : memref<16384xi32, #tpu.memory_space<hbm>>) dst(%arg6 : memref<16384xi32, #tpu.memory_space<vmem>>)
      tpu.yield
    }) : () -> ()
    %barrier3A = arith.constant 0 : index
    tpu.barrier barrier_id(%barrier3A)
    %dma_start3A = arith.constant 0 : i32
    %dma_start3A_5 = tpu.memref_slice %arg6[%dma_start3A] : memref<16384xi32, #tpu.memory_space<vmem>> -> memref<128xi32, #tpu.memory_space<vmem>>
    %dma_start3A_6 = arith.constant 0 : i32
    %dma_start3A_7 = arith.constant 0 : i32
    %dma_start3A_8 = tpu.memref_slice %arg5[%dma_start3A_6, %dma_start3A_7] : memref<8192x64xi32, #tpu.memory_space<vmem_shared>> -> memref<8192x64xi32, #tpu.memory_space<vmem_shared>>
    tpu.enqueue_indirect_dma source(%dma_start3A_8 : memref<8192x64xi32, #tpu.memory_space<vmem_shared>>) target(%arg7 : memref<128x64xi32, #tpu.memory_space<vmem>>) offsets(%dma_start3A_5 : memref<128xi32, #tpu.memory_space<vmem>>) semaphore(%arg15 : memref<!tpu.dma_semaphore, #tpu.memory_space<semaphore_mem>>)
    %dma_start3A_9 = arith.constant 128 : i32
    %dma_start3A_10 = tpu.memref_slice %arg6[%dma_start3A_9] : memref<16384xi32, #tpu.memory_space<vmem>> -> memref<128xi32, #tpu.memory_space<vmem>>
    %dma_start3A_11 = arith.constant 0 : i32
    %dma_start3A_12 = arith.constant 0 : i32
    %dma_start3A_13 = tpu.memref_slice %arg5[%dma_start3A_11, %dma_start3A_12] : memref<8192x64xi32, #tpu.memory_space<vmem_shared>> -> memref<8192x64xi32, #tpu.memory_space<vmem_shared>>
    tpu.enqueue_indirect_dma source(%dma_start3A_13 : memref<8192x64xi32, #tpu.memory_space<vmem_shared>>) target(%arg8 : memref<128x64xi32, #tpu.memory_space<vmem>>) offsets(%dma_start3A_10 : memref<128xi32, #tpu.memory_space<vmem>>) semaphore(%arg16 : memref<!tpu.dma_semaphore, #tpu.memory_space<semaphore_mem>>)
    %dma_start3A_14 = arith.constant 256 : i32
    %dma_start3A_15 = tpu.memref_slice %arg6[%dma_start3A_14] : memref<16384xi32, #tpu.memory_space<vmem>> -> memref<128xi32, #tpu.memory_space<vmem>>
    %dma_start3A_16 = arith.constant 0 : i32
    %dma_start3A_17 = arith.constant 0 : i32
    %dma_start3A_18 = tpu.memref_slice %arg5[%dma_start3A_16, %dma_start3A_17] : memref<8192x64xi32, #tpu.memory_space<vmem_shared>> -> memref<8192x64xi32, #tpu.memory_space<vmem_shared>>
    tpu.enqueue_indirect_dma source(%dma_start3A_18 : memref<8192x64xi32, #tpu.memory_space<vmem_shared>>) target(%arg9 : memref<128x64xi32, #tpu.memory_space<vmem>>) offsets(%dma_start3A_15 : memref<128xi32, #tpu.memory_space<vmem>>) semaphore(%arg17 : memref<!tpu.dma_semaphore, #tpu.memory_space<semaphore_mem>>)
    %dma_wait3A = arith.constant 0 : i32
    %dma_wait3A_19 = tpu.memref_slice %arg6[%dma_wait3A] : memref<16384xi32, #tpu.memory_space<vmem>> -> memref<128xi32, #tpu.memory_space<vmem>>
    %dma_wait3A_20 = arith.constant 0 : i32
    %dma_wait3A_21 = arith.constant 0 : i32
    %dma_wait3A_22 = tpu.memref_slice %arg5[%dma_wait3A_20, %dma_wait3A_21] : memref<8192x64xi32, #tpu.memory_space<vmem_shared>> -> memref<8192x64xi32, #tpu.memory_space<vmem_shared>>
    tpu.wait_indirect_dma semaphore(%arg15 : memref<!tpu.dma_semaphore, #tpu.memory_space<semaphore_mem>>) src(%dma_wait3A_22 : memref<8192x64xi32, #tpu.memory_space<vmem_shared>>) dst(%arg7 : memref<128x64xi32, #tpu.memory_space<vmem>>)
    %add3A_23 = arith.constant 0 : i32
    %add3A_24 = arith.addi %mul3A_2, %add3A_23 : i32
    %dma_start3A_25 = arith.constant 0 : i32
    %dma_start3A_26 = tpu.memref_slice %arg4[%add3A_24, %dma_start3A_25] : memref<524288x64xi32, #tpu.memory_space<hbm>> -> memref<128x64xi32, #tpu.memory_space<hbm>>
    %dma_start3A_27 = arith.constant 0 : i32
    %dma_start3A_28 = tpu.memref_slice %arg4[%add3A_24, %dma_start3A_27] : memref<524288x64xi32, #tpu.memory_space<hbm>> -> memref<128x64xi32, #tpu.memory_space<hbm>>
    tpu.enqueue_dma source(%arg7 : memref<128x64xi32, #tpu.memory_space<vmem>>) target(%dma_start3A_28 : memref<128x64xi32, #tpu.memory_space<hbm>>) target_semaphore(%arg23 : memref<!tpu.dma_semaphore, #tpu.memory_space<semaphore_mem>>)
    %dma_start3A_29 = arith.constant 384 : i32
    %dma_start3A_30 = tpu.memref_slice %arg6[%dma_start3A_29] : memref<16384xi32, #tpu.memory_space<vmem>> -> memref<128xi32, #tpu.memory_space<vmem>>
    %dma_start3A_31 = arith.constant 0 : i32
    %dma_start3A_32 = arith.constant 0 : i32
    %dma_start3A_33 = tpu.memref_slice %arg5[%dma_start3A_31, %dma_start3A_32] : memref<8192x64xi32, #tpu.memory_space<vmem_shared>> -> memref<8192x64xi32, #tpu.memory_space<vmem_shared>>
    tpu.enqueue_indirect_dma source(%dma_start3A_33 : memref<8192x64xi32, #tpu.memory_space<vmem_shared>>) target(%arg10 : memref<128x64xi32, #tpu.memory_space<vmem>>) offsets(%dma_start3A_30 : memref<128xi32, #tpu.memory_space<vmem>>) semaphore(%arg18 : memref<!tpu.dma_semaphore, #tpu.memory_space<semaphore_mem>>)
    %dma_wait3A_34 = arith.constant 0 : i32
    %dma_wait3A_35 = tpu.memref_slice %arg6[%dma_wait3A_34] : memref<16384xi32, #tpu.memory_space<vmem>> -> memref<128xi32, #tpu.memory_space<vmem>>
    %dma_wait3A_36 = arith.constant 0 : i32
    %dma_wait3A_37 = arith.constant 0 : i32
    %dma_wait3A_38 = tpu.memref_slice %arg5[%dma_wait3A_36, %dma_wait3A_37] : memref<8192x64xi32, #tpu.memory_space<vmem_shared>> -> memref<8192x64xi32, #tpu.memory_space<vmem_shared>>
    tpu.wait_indirect_dma semaphore(%arg16 : memref<!tpu.dma_semaphore, #tpu.memory_space<semaphore_mem>>) src(%dma_wait3A_38 : memref<8192x64xi32, #tpu.memory_space<vmem_shared>>) dst(%arg8 : memref<128x64xi32, #tpu.memory_space<vmem>>)
    %add3A_39 = arith.constant 128 : i32
    %add3A_40 = arith.addi %mul3A_2, %add3A_39 : i32
    %dma_start3A_41 = arith.constant 0 : i32
    %dma_start3A_42 = tpu.memref_slice %arg4[%add3A_40, %dma_start3A_41] : memref<524288x64xi32, #tpu.memory_space<hbm>> -> memref<128x64xi32, #tpu.memory_space<hbm>>
    %dma_start3A_43 = arith.constant 0 : i32
    %dma_start3A_44 = tpu.memref_slice %arg4[%add3A_40, %dma_start3A_43] : memref<524288x64xi32, #tpu.memory_space<hbm>> -> memref<128x64xi32, #tpu.memory_space<hbm>>
    tpu.enqueue_dma source(%arg8 : memref<128x64xi32, #tpu.memory_space<vmem>>) target(%dma_start3A_44 : memref<128x64xi32, #tpu.memory_space<hbm>>) target_semaphore(%arg24 : memref<!tpu.dma_semaphore, #tpu.memory_space<semaphore_mem>>)
    %dma_start3A_45 = arith.constant 512 : i32
    %dma_start3A_46 = tpu.memref_slice %arg6[%dma_start3A_45] : memref<16384xi32, #tpu.memory_space<vmem>> -> memref<128xi32, #tpu.memory_space<vmem>>
    %dma_start3A_47 = arith.constant 0 : i32
    %dma_start3A_48 = arith.constant 0 : i32
    %dma_start3A_49 = tpu.memref_slice %arg5[%dma_start3A_47, %dma_start3A_48] : memref<8192x64xi32, #tpu.memory_space<vmem_shared>> -> memref<8192x64xi32, #tpu.memory_space<vmem_shared>>
    tpu.enqueue_indirect_dma source(%dma_start3A_49 : memref<8192x64xi32, #tpu.memory_space<vmem_shared>>) target(%arg11 : memref<128x64xi32, #tpu.memory_space<vmem>>) offsets(%dma_start3A_46 : memref<128xi32, #tpu.memory_space<vmem>>) semaphore(%arg19 : memref<!tpu.dma_semaphore, #tpu.memory_space<semaphore_mem>>)
    %dma_wait3A_50 = arith.constant 0 : i32
    %dma_wait3A_51 = tpu.memref_slice %arg6[%dma_wait3A_50] : memref<16384xi32, #tpu.memory_space<vmem>> -> memref<128xi32, #tpu.memory_space<vmem>>
    %dma_wait3A_52 = arith.constant 0 : i32
    %dma_wait3A_53 = arith.constant 0 : i32
    %dma_wait3A_54 = tpu.memref_slice %arg5[%dma_wait3A_52, %dma_wait3A_53] : memref<8192x64xi32, #tpu.memory_space<vmem_shared>> -> memref<8192x64xi32, #tpu.memory_space<vmem_shared>>
    tpu.wait_indirect_dma semaphore(%arg17 : memref<!tpu.dma_semaphore, #tpu.memory_space<semaphore_mem>>) src(%dma_wait3A_54 : memref<8192x64xi32, #tpu.memory_space<vmem_shared>>) dst(%arg9 : memref<128x64xi32, #tpu.memory_space<vmem>>)
    %add3A_55 = arith.constant 256 : i32
    %add3A_56 = arith.addi %mul3A_2, %add3A_55 : i32
    %dma_start3A_57 = arith.constant 0 : i32
    %dma_start3A_58 = tpu.memref_slice %arg4[%add3A_56, %dma_start3A_57] : memref<524288x64xi32, #tpu.memory_space<hbm>> -> memref<128x64xi32, #tpu.memory_space<hbm>>
    %dma_start3A_59 = arith.constant 0 : i32
    %dma_start3A_60 = tpu.memref_slice %arg4[%add3A_56, %dma_start3A_59] : memref<524288x64xi32, #tpu.memory_space<hbm>> -> memref<128x64xi32, #tpu.memory_space<hbm>>
    tpu.enqueue_dma source(%arg9 : memref<128x64xi32, #tpu.memory_space<vmem>>) target(%dma_start3A_60 : memref<128x64xi32, #tpu.memory_space<hbm>>) target_semaphore(%arg25 : memref<!tpu.dma_semaphore, #tpu.memory_space<semaphore_mem>>)
    %dma_start3A_61 = arith.constant 640 : i32
    %dma_start3A_62 = tpu.memref_slice %arg6[%dma_start3A_61] : memref<16384xi32, #tpu.memory_space<vmem>> -> memref<128xi32, #tpu.memory_space<vmem>>
    %dma_start3A_63 = arith.constant 0 : i32
    %dma_start3A_64 = arith.constant 0 : i32
    %dma_start3A_65 = tpu.memref_slice %arg5[%dma_start3A_63, %dma_start3A_64] : memref<8192x64xi32, #tpu.memory_space<vmem_shared>> -> memref<8192x64xi32, #tpu.memory_space<vmem_shared>>
    tpu.enqueue_indirect_dma source(%dma_start3A_65 : memref<8192x64xi32, #tpu.memory_space<vmem_shared>>) target(%arg12 : memref<128x64xi32, #tpu.memory_space<vmem>>) offsets(%dma_start3A_62 : memref<128xi32, #tpu.memory_space<vmem>>) semaphore(%arg20 : memref<!tpu.dma_semaphore, #tpu.memory_space<semaphore_mem>>)
    %dma_wait3A_66 = arith.constant 0 : i32
    %dma_wait3A_67 = tpu.memref_slice %arg6[%dma_wait3A_66] : memref<16384xi32, #tpu.memory_space<vmem>> -> memref<128xi32, #tpu.memory_space<vmem>>
    %dma_wait3A_68 = arith.constant 0 : i32
    %dma_wait3A_69 = arith.constant 0 : i32
    %dma_wait3A_70 = tpu.memref_slice %arg5[%dma_wait3A_68, %dma_wait3A_69] : memref<8192x64xi32, #tpu.memory_space<vmem_shared>> -> memref<8192x64xi32, #tpu.memory_space<vmem_shared>>
    tpu.wait_indirect_dma semaphore(%arg18 : memref<!tpu.dma_semaphore, #tpu.memory_space<semaphore_mem>>) src(%dma_wait3A_70 : memref<8192x64xi32, #tpu.memory_space<vmem_shared>>) dst(%arg10 : memref<128x64xi32, #tpu.memory_space<vmem>>)
    %add3A_71 = arith.constant 384 : i32
    %add3A_72 = arith.addi %mul3A_2, %add3A_71 : i32
    %dma_start3A_73 = arith.constant 0 : i32
    %dma_start3A_74 = tpu.memref_slice %arg4[%add3A_72, %dma_start3A_73] : memref<524288x64xi32, #tpu.memory_space<hbm>> -> memref<128x64xi32, #tpu.memory_space<hbm>>
    %dma_start3A_75 = arith.constant 0 : i32
    %dma_start3A_76 = tpu.memref_slice %arg4[%add3A_72, %dma_start3A_75] : memref<524288x64xi32, #tpu.memory_space<hbm>> -> memref<128x64xi32, #tpu.memory_space<hbm>>
    tpu.enqueue_dma source(%arg10 : memref<128x64xi32, #tpu.memory_space<vmem>>) target(%dma_start3A_76 : memref<128x64xi32, #tpu.memory_space<hbm>>) target_semaphore(%arg26 : memref<!tpu.dma_semaphore, #tpu.memory_space<semaphore_mem>>)
    %dma_start3A_77 = arith.constant 768 : i32
    %dma_start3A_78 = tpu.memref_slice %arg6[%dma_start3A_77] : memref<16384xi32, #tpu.memory_space<vmem>> -> memref<128xi32, #tpu.memory_space<vmem>>
    %dma_start3A_79 = arith.constant 0 : i32
    %dma_start3A_80 = arith.constant 0 : i32
    %dma_start3A_81 = tpu.memref_slice %arg5[%dma_start3A_79, %dma_start3A_80] : memref<8192x64xi32, #tpu.memory_space<vmem_shared>> -> memref<8192x64xi32, #tpu.memory_space<vmem_shared>>
    tpu.enqueue_indirect_dma source(%dma_start3A_81 : memref<8192x64xi32, #tpu.memory_space<vmem_shared>>) target(%arg13 : memref<128x64xi32, #tpu.memory_space<vmem>>) offsets(%dma_start3A_78 : memref<128xi32, #tpu.memory_space<vmem>>) semaphore(%arg21 : memref<!tpu.dma_semaphore, #tpu.memory_space<semaphore_mem>>)
    %dma_wait3A_82 = arith.constant 0 : i32
    %dma_wait3A_83 = tpu.memref_slice %arg6[%dma_wait3A_82] : memref<16384xi32, #tpu.memory_space<vmem>> -> memref<128xi32, #tpu.memory_space<vmem>>
    %dma_wait3A_84 = arith.constant 0 : i32
    %dma_wait3A_85 = arith.constant 0 : i32
    %dma_wait3A_86 = tpu.memref_slice %arg5[%dma_wait3A_84, %dma_wait3A_85] : memref<8192x64xi32, #tpu.memory_space<vmem_shared>> -> memref<8192x64xi32, #tpu.memory_space<vmem_shared>>
    tpu.wait_indirect_dma semaphore(%arg19 : memref<!tpu.dma_semaphore, #tpu.memory_space<semaphore_mem>>) src(%dma_wait3A_86 : memref<8192x64xi32, #tpu.memory_space<vmem_shared>>) dst(%arg11 : memref<128x64xi32, #tpu.memory_space<vmem>>)
    %add3A_87 = arith.constant 512 : i32
    %add3A_88 = arith.addi %mul3A_2, %add3A_87 : i32
    %dma_start3A_89 = arith.constant 0 : i32
    %dma_start3A_90 = tpu.memref_slice %arg4[%add3A_88, %dma_start3A_89] : memref<524288x64xi32, #tpu.memory_space<hbm>> -> memref<128x64xi32, #tpu.memory_space<hbm>>
    %dma_start3A_91 = arith.constant 0 : i32
    %dma_start3A_92 = tpu.memref_slice %arg4[%add3A_88, %dma_start3A_91] : memref<524288x64xi32, #tpu.memory_space<hbm>> -> memref<128x64xi32, #tpu.memory_space<hbm>>
    tpu.enqueue_dma source(%arg11 : memref<128x64xi32, #tpu.memory_space<vmem>>) target(%dma_start3A_92 : memref<128x64xi32, #tpu.memory_space<hbm>>) target_semaphore(%arg27 : memref<!tpu.dma_semaphore, #tpu.memory_space<semaphore_mem>>)
    %dma_start3A_93 = arith.constant 896 : i32
    %dma_start3A_94 = tpu.memref_slice %arg6[%dma_start3A_93] : memref<16384xi32, #tpu.memory_space<vmem>> -> memref<128xi32, #tpu.memory_space<vmem>>
    %dma_start3A_95 = arith.constant 0 : i32
    %dma_start3A_96 = arith.constant 0 : i32
    %dma_start3A_97 = tpu.memref_slice %arg5[%dma_start3A_95, %dma_start3A_96] : memref<8192x64xi32, #tpu.memory_space<vmem_shared>> -> memref<8192x64xi32, #tpu.memory_space<vmem_shared>>
    tpu.enqueue_indirect_dma source(%dma_start3A_97 : memref<8192x64xi32, #tpu.memory_space<vmem_shared>>) target(%arg14 : memref<128x64xi32, #tpu.memory_space<vmem>>) offsets(%dma_start3A_94 : memref<128xi32, #tpu.memory_space<vmem>>) semaphore(%arg22 : memref<!tpu.dma_semaphore, #tpu.memory_space<semaphore_mem>>)
    %dma_wait3A_98 = arith.constant 0 : i32
    %dma_wait3A_99 = tpu.memref_slice %arg6[%dma_wait3A_98] : memref<16384xi32, #tpu.memory_space<vmem>> -> memref<128xi32, #tpu.memory_space<vmem>>
    %dma_wait3A_100 = arith.constant 0 : i32
    %dma_wait3A_101 = arith.constant 0 : i32
    %dma_wait3A_102 = tpu.memref_slice %arg5[%dma_wait3A_100, %dma_wait3A_101] : memref<8192x64xi32, #tpu.memory_space<vmem_shared>> -> memref<8192x64xi32, #tpu.memory_space<vmem_shared>>
    tpu.wait_indirect_dma semaphore(%arg20 : memref<!tpu.dma_semaphore, #tpu.memory_space<semaphore_mem>>) src(%dma_wait3A_102 : memref<8192x64xi32, #tpu.memory_space<vmem_shared>>) dst(%arg12 : memref<128x64xi32, #tpu.memory_space<vmem>>)
    %add3A_103 = arith.constant 640 : i32
    %add3A_104 = arith.addi %mul3A_2, %add3A_103 : i32
    %dma_start3A_105 = arith.constant 0 : i32
    %dma_start3A_106 = tpu.memref_slice %arg4[%add3A_104, %dma_start3A_105] : memref<524288x64xi32, #tpu.memory_space<hbm>> -> memref<128x64xi32, #tpu.memory_space<hbm>>
    %dma_start3A_107 = arith.constant 0 : i32
    %dma_start3A_108 = tpu.memref_slice %arg4[%add3A_104, %dma_start3A_107] : memref<524288x64xi32, #tpu.memory_space<hbm>> -> memref<128x64xi32, #tpu.memory_space<hbm>>
    tpu.enqueue_dma source(%arg12 : memref<128x64xi32, #tpu.memory_space<vmem>>) target(%dma_start3A_108 : memref<128x64xi32, #tpu.memory_space<hbm>>) target_semaphore(%arg28 : memref<!tpu.dma_semaphore, #tpu.memory_space<semaphore_mem>>)
    %dma_wait3A_109 = arith.constant 0 : i32
    %dma_wait3A_110 = tpu.memref_slice %arg4[%mul3A_2, %dma_wait3A_109] : memref<524288x64xi32, #tpu.memory_space<hbm>> -> memref<128x64xi32, #tpu.memory_space<hbm>>
    %dma_wait3A_111 = arith.constant 0 : i32
    %dma_wait3A_112 = tpu.memref_slice %arg4[%mul3A_2, %dma_wait3A_111] : memref<524288x64xi32, #tpu.memory_space<hbm>> -> memref<128x64xi32, #tpu.memory_space<hbm>>
    tpu.wait_dma2 semaphore(%arg23 : memref<!tpu.dma_semaphore, #tpu.memory_space<semaphore_mem>>) src(%arg7 : memref<128x64xi32, #tpu.memory_space<vmem>>) dst(%dma_wait3A_112 : memref<128x64xi32, #tpu.memory_space<hbm>>)
    %dma_start3A_113 = arith.constant 1024 : i32
    %dma_start3A_114 = tpu.memref_slice %arg6[%dma_start3A_113] : memref<16384xi32, #tpu.memory_space<vmem>> -> memref<128xi32, #tpu.memory_space<vmem>>
    %dma_start3A_115 = arith.constant 0 : i32
    %dma_start3A_116 = arith.constant 0 : i32
    %dma_start3A_117 = tpu.memref_slice %arg5[%dma_start3A_115, %dma_start3A_116] : memref<8192x64xi32, #tpu.memory_space<vmem_shared>> -> memref<8192x64xi32, #tpu.memory_space<vmem_shared>>
    tpu.enqueue_indirect_dma source(%dma_start3A_117 : memref<8192x64xi32, #tpu.memory_space<vmem_shared>>) target(%arg7 : memref<128x64xi32, #tpu.memory_space<vmem>>) offsets(%dma_start3A_114 : memref<128xi32, #tpu.memory_space<vmem>>) semaphore(%arg15 : memref<!tpu.dma_semaphore, #tpu.memory_space<semaphore_mem>>)
    %dma_wait3A_118 = arith.constant 0 : i32
    %dma_wait3A_119 = tpu.memref_slice %arg6[%dma_wait3A_118] : memref<16384xi32, #tpu.memory_space<vmem>> -> memref<128xi32, #tpu.memory_space<vmem>>
    %dma_wait3A_120 = arith.constant 0 : i32
    %dma_wait3A_121 = arith.constant 0 : i32
    %dma_wait3A_122 = tpu.memref_slice %arg5[%dma_wait3A_120, %dma_wait3A_121] : memref<8192x64xi32, #tpu.memory_space<vmem_shared>> -> memref<8192x64xi32, #tpu.memory_space<vmem_shared>>
    tpu.wait_indirect_dma semaphore(%arg21 : memref<!tpu.dma_semaphore, #tpu.memory_space<semaphore_mem>>) src(%dma_wait3A_122 : memref<8192x64xi32, #tpu.memory_space<vmem_shared>>) dst(%arg13 : memref<128x64xi32, #tpu.memory_space<vmem>>)
    %add3A_123 = arith.constant 768 : i32
    %add3A_124 = arith.addi %mul3A_2, %add3A_123 : i32
    %dma_start3A_125 = arith.constant 0 : i32
    %dma_start3A_126 = tpu.memref_slice %arg4[%add3A_124, %dma_start3A_125] : memref<524288x64xi32, #tpu.memory_space<hbm>> -> memref<128x64xi32, #tpu.memory_space<hbm>>
    %dma_start3A_127 = arith.constant 0 : i32
    %dma_start3A_128 = tpu.memref_slice %arg4[%add3A_124, %dma_start3A_127] : memref<524288x64xi32, #tpu.memory_space<hbm>> -> memref<128x64xi32, #tpu.memory_space<hbm>>
    tpu.enqueue_dma source(%arg13 : memref<128x64xi32, #tpu.memory_space<vmem>>) target(%dma_start3A_128 : memref<128x64xi32, #tpu.memory_space<hbm>>) target_semaphore(%arg29 : memref<!tpu.dma_semaphore, #tpu.memory_space<semaphore_mem>>)
    %dma_wait3A_129 = arith.constant 0 : i32
    %dma_wait3A_130 = tpu.memref_slice %arg4[%mul3A_2, %dma_wait3A_129] : memref<524288x64xi32, #tpu.memory_space<hbm>> -> memref<128x64xi32, #tpu.memory_space<hbm>>
    %dma_wait3A_131 = arith.constant 0 : i32
    %dma_wait3A_132 = tpu.memref_slice %arg4[%mul3A_2, %dma_wait3A_131] : memref<524288x64xi32, #tpu.memory_space<hbm>> -> memref<128x64xi32, #tpu.memory_space<hbm>>
    tpu.wait_dma2 semaphore(%arg24 : memref<!tpu.dma_semaphore, #tpu.memory_space<semaphore_mem>>) src(%arg8 : memref<128x64xi32, #tpu.memory_space<vmem>>) dst(%dma_wait3A_132 : memref<128x64xi32, #tpu.memory_space<hbm>>)
    %dma_start3A_133 = arith.constant 1152 : i32
    %dma_start3A_134 = tpu.memref_slice %arg6[%dma_start3A_133] : memref<16384xi32, #tpu.memory_space<vmem>> -> memref<128xi32, #tpu.memory_space<vmem>>
    %dma_start3A_135 = arith.constant 0 : i32
    %dma_start3A_136 = arith.constant 0 : i32
    %dma_start3A_137 = tpu.memref_slice %arg5[%dma_start3A_135, %dma_start3A_136] : memref<8192x64xi32, #tpu.memory_space<vmem_shared>> -> memref<8192x64xi32, #tpu.memory_space<vmem_shared>>
    tpu.enqueue_indirect_dma source(%dma_start3A_137 : memref<8192x64xi32, #tpu.memory_space<vmem_shared>>) target(%arg8 : memref<128x64xi32, #tpu.memory_space<vmem>>) offsets(%dma_start3A_134 : memref<128xi32, #tpu.memory_space<vmem>>) semaphore(%arg16 : memref<!tpu.dma_semaphore, #tpu.memory_space<semaphore_mem>>)
    %dma_wait3A_138 = arith.constant 0 : i32
    %dma_wait3A_139 = tpu.memref_slice %arg6[%dma_wait3A_138] : memref<16384xi32, #tpu.memory_space<vmem>> -> memref<128xi32, #tpu.memory_space<vmem>>
    %dma_wait3A_140 = arith.constant 0 : i32
    %dma_wait3A_141 = arith.constant 0 : i32
    %dma_wait3A_142 = tpu.memref_slice %arg5[%dma_wait3A_140, %dma_wait3A_141] : memref<8192x64xi32, #tpu.memory_space<vmem_shared>> -> memref<8192x64xi32, #tpu.memory_space<vmem_shared>>
    tpu.wait_indirect_dma semaphore(%arg22 : memref<!tpu.dma_semaphore, #tpu.memory_space<semaphore_mem>>) src(%dma_wait3A_142 : memref<8192x64xi32, #tpu.memory_space<vmem_shared>>) dst(%arg14 : memref<128x64xi32, #tpu.memory_space<vmem>>)
    %add3A_143 = arith.constant 896 : i32
    %add3A_144 = arith.addi %mul3A_2, %add3A_143 : i32
    %dma_start3A_145 = arith.constant 0 : i32
    %dma_start3A_146 = tpu.memref_slice %arg4[%add3A_144, %dma_start3A_145] : memref<524288x64xi32, #tpu.memory_space<hbm>> -> memref<128x64xi32, #tpu.memory_space<hbm>>
    %dma_start3A_147 = arith.constant 0 : i32
    %dma_start3A_148 = tpu.memref_slice %arg4[%add3A_144, %dma_start3A_147] : memref<524288x64xi32, #tpu.memory_space<hbm>> -> memref<128x64xi32, #tpu.memory_space<hbm>>
    tpu.enqueue_dma source(%arg14 : memref<128x64xi32, #tpu.memory_space<vmem>>) target(%dma_start3A_148 : memref<128x64xi32, #tpu.memory_space<hbm>>) target_semaphore(%arg30 : memref<!tpu.dma_semaphore, #tpu.memory_space<semaphore_mem>>)
    %scan3A = arith.constant 0 : i32
    %scan3A_149 = arith.constant 1 : i32
    %scan3A_150 = arith.constant 14 : i32
    %scan3A_151 = arith.addi %scan3A_149, %scan3A_150 : i32
    %scan3A_152 = arith.constant 1 : i32
    scf.for %scan3A_328 = %scan3A_149 to %scan3A_151 step %scan3A_152  : i32 {
      %mul3A_329 = arith.constant 8 : i32
      %mul3A_330 = arith.muli %scan3A_328, %mul3A_329 : i32
      %add3A_331 = arith.constant 0 : i32
      %add3A_332 = arith.addi %mul3A_330, %add3A_331 : i32
      %dma_wait3A_333 = arith.constant 0 : i32
      %dma_wait3A_334 = tpu.memref_slice %arg4[%mul3A_2, %dma_wait3A_333] : memref<524288x64xi32, #tpu.memory_space<hbm>> -> memref<128x64xi32, #tpu.memory_space<hbm>>
      %dma_wait3A_335 = arith.constant 0 : i32
      %dma_wait3A_336 = tpu.memref_slice %arg4[%mul3A_2, %dma_wait3A_335] : memref<524288x64xi32, #tpu.memory_space<hbm>> -> memref<128x64xi32, #tpu.memory_space<hbm>>
      tpu.wait_dma2 semaphore(%arg25 : memref<!tpu.dma_semaphore, #tpu.memory_space<semaphore_mem>>) src(%arg9 : memref<128x64xi32, #tpu.memory_space<vmem>>) dst(%dma_wait3A_336 : memref<128x64xi32, #tpu.memory_space<hbm>>)
      %add3A_337 = arith.constant 2 : i32
      %add3A_338 = arith.addi %add3A_332, %add3A_337 : i32
      %mul3A_339 = arith.constant 128 : i32
      %mul3A_340 = arith.muli %add3A_338, %mul3A_339 : i32
      %dma_start3A_341 = tpu.memref_slice %arg6[%mul3A_340] : memref<16384xi32, #tpu.memory_space<vmem>> -> memref<128xi32, #tpu.memory_space<vmem>>
      %dma_start3A_342 = arith.constant 0 : i32
      %dma_start3A_343 = arith.constant 0 : i32
      %dma_start3A_344 = tpu.memref_slice %arg5[%dma_start3A_342, %dma_start3A_343] : memref<8192x64xi32, #tpu.memory_space<vmem_shared>> -> memref<8192x64xi32, #tpu.memory_space<vmem_shared>>
      tpu.enqueue_indirect_dma source(%dma_start3A_344 : memref<8192x64xi32, #tpu.memory_space<vmem_shared>>) target(%arg9 : memref<128x64xi32, #tpu.memory_space<vmem>>) offsets(%dma_start3A_341 : memref<128xi32, #tpu.memory_space<vmem>>) semaphore(%arg17 : memref<!tpu.dma_semaphore, #tpu.memory_space<semaphore_mem>>)
      %dma_wait3A_345 = arith.constant 0 : i32
      %dma_wait3A_346 = tpu.memref_slice %arg6[%dma_wait3A_345] : memref<16384xi32, #tpu.memory_space<vmem>> -> memref<128xi32, #tpu.memory_space<vmem>>
      %dma_wait3A_347 = arith.constant 0 : i32
      %dma_wait3A_348 = arith.constant 0 : i32
      %dma_wait3A_349 = tpu.memref_slice %arg5[%dma_wait3A_347, %dma_wait3A_348] : memref<8192x64xi32, #tpu.memory_space<vmem_shared>> -> memref<8192x64xi32, #tpu.memory_space<vmem_shared>>
      tpu.wait_indirect_dma semaphore(%arg15 : memref<!tpu.dma_semaphore, #tpu.memory_space<semaphore_mem>>) src(%dma_wait3A_349 : memref<8192x64xi32, #tpu.memory_space<vmem_shared>>) dst(%arg7 : memref<128x64xi32, #tpu.memory_space<vmem>>)
      %mul3A_350 = arith.constant 128 : i32
      %mul3A_351 = arith.muli %add3A_332, %mul3A_350 : i32
      %add3A_352 = arith.addi %mul3A_2, %mul3A_351 : i32
      %dma_start3A_353 = arith.constant 0 : i32
      %dma_start3A_354 = tpu.memref_slice %arg4[%add3A_352, %dma_start3A_353] : memref<524288x64xi32, #tpu.memory_space<hbm>> -> memref<128x64xi32, #tpu.memory_space<hbm>>
      %dma_start3A_355 = arith.constant 0 : i32
      %dma_start3A_356 = tpu.memref_slice %arg4[%add3A_352, %dma_start3A_355] : memref<524288x64xi32, #tpu.memory_space<hbm>> -> memref<128x64xi32, #tpu.memory_space<hbm>>
      tpu.enqueue_dma source(%arg7 : memref<128x64xi32, #tpu.memory_space<vmem>>) target(%dma_start3A_356 : memref<128x64xi32, #tpu.memory_space<hbm>>) target_semaphore(%arg23 : memref<!tpu.dma_semaphore, #tpu.memory_space<semaphore_mem>>)
      %mul3A_357 = arith.constant 8 : i32
      %mul3A_358 = arith.muli %scan3A_328, %mul3A_357 : i32
      %add3A_359 = arith.constant 1 : i32
      %add3A_360 = arith.addi %mul3A_358, %add3A_359 : i32
      %dma_wait3A_361 = arith.constant 0 : i32
      %dma_wait3A_362 = tpu.memref_slice %arg4[%mul3A_2, %dma_wait3A_361] : memref<524288x64xi32, #tpu.memory_space<hbm>> -> memref<128x64xi32, #tpu.memory_space<hbm>>
      %dma_wait3A_363 = arith.constant 0 : i32
      %dma_wait3A_364 = tpu.memref_slice %arg4[%mul3A_2, %dma_wait3A_363] : memref<524288x64xi32, #tpu.memory_space<hbm>> -> memref<128x64xi32, #tpu.memory_space<hbm>>
      tpu.wait_dma2 semaphore(%arg26 : memref<!tpu.dma_semaphore, #tpu.memory_space<semaphore_mem>>) src(%arg10 : memref<128x64xi32, #tpu.memory_space<vmem>>) dst(%dma_wait3A_364 : memref<128x64xi32, #tpu.memory_space<hbm>>)
      %add3A_365 = arith.constant 2 : i32
      %add3A_366 = arith.addi %add3A_360, %add3A_365 : i32
      %mul3A_367 = arith.constant 128 : i32
      %mul3A_368 = arith.muli %add3A_366, %mul3A_367 : i32
      %dma_start3A_369 = tpu.memref_slice %arg6[%mul3A_368] : memref<16384xi32, #tpu.memory_space<vmem>> -> memref<128xi32, #tpu.memory_space<vmem>>
      %dma_start3A_370 = arith.constant 0 : i32
      %dma_start3A_371 = arith.constant 0 : i32
      %dma_start3A_372 = tpu.memref_slice %arg5[%dma_start3A_370, %dma_start3A_371] : memref<8192x64xi32, #tpu.memory_space<vmem_shared>> -> memref<8192x64xi32, #tpu.memory_space<vmem_shared>>
      tpu.enqueue_indirect_dma source(%dma_start3A_372 : memref<8192x64xi32, #tpu.memory_space<vmem_shared>>) target(%arg10 : memref<128x64xi32, #tpu.memory_space<vmem>>) offsets(%dma_start3A_369 : memref<128xi32, #tpu.memory_space<vmem>>) semaphore(%arg18 : memref<!tpu.dma_semaphore, #tpu.memory_space<semaphore_mem>>)
      %dma_wait3A_373 = arith.constant 0 : i32
      %dma_wait3A_374 = tpu.memref_slice %arg6[%dma_wait3A_373] : memref<16384xi32, #tpu.memory_space<vmem>> -> memref<128xi32, #tpu.memory_space<vmem>>
      %dma_wait3A_375 = arith.constant 0 : i32
      %dma_wait3A_376 = arith.constant 0 : i32
      %dma_wait3A_377 = tpu.memref_slice %arg5[%dma_wait3A_375, %dma_wait3A_376] : memref<8192x64xi32, #tpu.memory_space<vmem_shared>> -> memref<8192x64xi32, #tpu.memory_space<vmem_shared>>
      tpu.wait_indirect_dma semaphore(%arg16 : memref<!tpu.dma_semaphore, #tpu.memory_space<semaphore_mem>>) src(%dma_wait3A_377 : memref<8192x64xi32, #tpu.memory_space<vmem_shared>>) dst(%arg8 : memref<128x64xi32, #tpu.memory_space<vmem>>)
      %mul3A_378 = arith.constant 128 : i32
      %mul3A_379 = arith.muli %add3A_360, %mul3A_378 : i32
      %add3A_380 = arith.addi %mul3A_2, %mul3A_379 : i32
      %dma_start3A_381 = arith.constant 0 : i32
      %dma_start3A_382 = tpu.memref_slice %arg4[%add3A_380, %dma_start3A_381] : memref<524288x64xi32, #tpu.memory_space<hbm>> -> memref<128x64xi32, #tpu.memory_space<hbm>>
      %dma_start3A_383 = arith.constant 0 : i32
      %dma_start3A_384 = tpu.memref_slice %arg4[%add3A_380, %dma_start3A_383] : memref<524288x64xi32, #tpu.memory_space<hbm>> -> memref<128x64xi32, #tpu.memory_space<hbm>>
      tpu.enqueue_dma source(%arg8 : memref<128x64xi32, #tpu.memory_space<vmem>>) target(%dma_start3A_384 : memref<128x64xi32, #tpu.memory_space<hbm>>) target_semaphore(%arg24 : memref<!tpu.dma_semaphore, #tpu.memory_space<semaphore_mem>>)
      %mul3A_385 = arith.constant 8 : i32
      %mul3A_386 = arith.muli %scan3A_328, %mul3A_385 : i32
      %add3A_387 = arith.constant 2 : i32
      %add3A_388 = arith.addi %mul3A_386, %add3A_387 : i32
      %dma_wait3A_389 = arith.constant 0 : i32
      %dma_wait3A_390 = tpu.memref_slice %arg4[%mul3A_2, %dma_wait3A_389] : memref<524288x64xi32, #tpu.memory_space<hbm>> -> memref<128x64xi32, #tpu.memory_space<hbm>>
      %dma_wait3A_391 = arith.constant 0 : i32
      %dma_wait3A_392 = tpu.memref_slice %arg4[%mul3A_2, %dma_wait3A_391] : memref<524288x64xi32, #tpu.memory_space<hbm>> -> memref<128x64xi32, #tpu.memory_space<hbm>>
      tpu.wait_dma2 semaphore(%arg27 : memref<!tpu.dma_semaphore, #tpu.memory_space<semaphore_mem>>) src(%arg11 : memref<128x64xi32, #tpu.memory_space<vmem>>) dst(%dma_wait3A_392 : memref<128x64xi32, #tpu.memory_space<hbm>>)
      %add3A_393 = arith.constant 2 : i32
      %add3A_394 = arith.addi %add3A_388, %add3A_393 : i32
      %mul3A_395 = arith.constant 128 : i32
      %mul3A_396 = arith.muli %add3A_394, %mul3A_395 : i32
      %dma_start3A_397 = tpu.memref_slice %arg6[%mul3A_396] : memref<16384xi32, #tpu.memory_space<vmem>> -> memref<128xi32, #tpu.memory_space<vmem>>
      %dma_start3A_398 = arith.constant 0 : i32
      %dma_start3A_399 = arith.constant 0 : i32
      %dma_start3A_400 = tpu.memref_slice %arg5[%dma_start3A_398, %dma_start3A_399] : memref<8192x64xi32, #tpu.memory_space<vmem_shared>> -> memref<8192x64xi32, #tpu.memory_space<vmem_shared>>
      tpu.enqueue_indirect_dma source(%dma_start3A_400 : memref<8192x64xi32, #tpu.memory_space<vmem_shared>>) target(%arg11 : memref<128x64xi32, #tpu.memory_space<vmem>>) offsets(%dma_start3A_397 : memref<128xi32, #tpu.memory_space<vmem>>) semaphore(%arg19 : memref<!tpu.dma_semaphore, #tpu.memory_space<semaphore_mem>>)
      %dma_wait3A_401 = arith.constant 0 : i32
      %dma_wait3A_402 = tpu.memref_slice %arg6[%dma_wait3A_401] : memref<16384xi32, #tpu.memory_space<vmem>> -> memref<128xi32, #tpu.memory_space<vmem>>
      %dma_wait3A_403 = arith.constant 0 : i32
      %dma_wait3A_404 = arith.constant 0 : i32
      %dma_wait3A_405 = tpu.memref_slice %arg5[%dma_wait3A_403, %dma_wait3A_404] : memref<8192x64xi32, #tpu.memory_space<vmem_shared>> -> memref<8192x64xi32, #tpu.memory_space<vmem_shared>>
      tpu.wait_indirect_dma semaphore(%arg17 : memref<!tpu.dma_semaphore, #tpu.memory_space<semaphore_mem>>) src(%dma_wait3A_405 : memref<8192x64xi32, #tpu.memory_space<vmem_shared>>) dst(%arg9 : memref<128x64xi32, #tpu.memory_space<vmem>>)
      %mul3A_406 = arith.constant 128 : i32
      %mul3A_407 = arith.muli %add3A_388, %mul3A_406 : i32
      %add3A_408 = arith.addi %mul3A_2, %mul3A_407 : i32
      %dma_start3A_409 = arith.constant 0 : i32
      %dma_start3A_410 = tpu.memref_slice %arg4[%add3A_408, %dma_start3A_409] : memref<524288x64xi32, #tpu.memory_space<hbm>> -> memref<128x64xi32, #tpu.memory_space<hbm>>
      %dma_start3A_411 = arith.constant 0 : i32
      %dma_start3A_412 = tpu.memref_slice %arg4[%add3A_408, %dma_start3A_411] : memref<524288x64xi32, #tpu.memory_space<hbm>> -> memref<128x64xi32, #tpu.memory_space<hbm>>
      tpu.enqueue_dma source(%arg9 : memref<128x64xi32, #tpu.memory_space<vmem>>) target(%dma_start3A_412 : memref<128x64xi32, #tpu.memory_space<hbm>>) target_semaphore(%arg25 : memref<!tpu.dma_semaphore, #tpu.memory_space<semaphore_mem>>)
      %mul3A_413 = arith.constant 8 : i32
      %mul3A_414 = arith.muli %scan3A_328, %mul3A_413 : i32
      %add3A_415 = arith.constant 3 : i32
      %add3A_416 = arith.addi %mul3A_414, %add3A_415 : i32
      %dma_wait3A_417 = arith.constant 0 : i32
      %dma_wait3A_418 = tpu.memref_slice %arg4[%mul3A_2, %dma_wait3A_417] : memref<524288x64xi32, #tpu.memory_space<hbm>> -> memref<128x64xi32, #tpu.memory_space<hbm>>
      %dma_wait3A_419 = arith.constant 0 : i32
      %dma_wait3A_420 = tpu.memref_slice %arg4[%mul3A_2, %dma_wait3A_419] : memref<524288x64xi32, #tpu.memory_space<hbm>> -> memref<128x64xi32, #tpu.memory_space<hbm>>
      tpu.wait_dma2 semaphore(%arg28 : memref<!tpu.dma_semaphore, #tpu.memory_space<semaphore_mem>>) src(%arg12 : memref<128x64xi32, #tpu.memory_space<vmem>>) dst(%dma_wait3A_420 : memref<128x64xi32, #tpu.memory_space<hbm>>)
      %add3A_421 = arith.constant 2 : i32
      %add3A_422 = arith.addi %add3A_416, %add3A_421 : i32
      %mul3A_423 = arith.constant 128 : i32
      %mul3A_424 = arith.muli %add3A_422, %mul3A_423 : i32
      %dma_start3A_425 = tpu.memref_slice %arg6[%mul3A_424] : memref<16384xi32, #tpu.memory_space<vmem>> -> memref<128xi32, #tpu.memory_space<vmem>>
      %dma_start3A_426 = arith.constant 0 : i32
      %dma_start3A_427 = arith.constant 0 : i32
      %dma_start3A_428 = tpu.memref_slice %arg5[%dma_start3A_426, %dma_start3A_427] : memref<8192x64xi32, #tpu.memory_space<vmem_shared>> -> memref<8192x64xi32, #tpu.memory_space<vmem_shared>>
      tpu.enqueue_indirect_dma source(%dma_start3A_428 : memref<8192x64xi32, #tpu.memory_space<vmem_shared>>) target(%arg12 : memref<128x64xi32, #tpu.memory_space<vmem>>) offsets(%dma_start3A_425 : memref<128xi32, #tpu.memory_space<vmem>>) semaphore(%arg20 : memref<!tpu.dma_semaphore, #tpu.memory_space<semaphore_mem>>)
      %dma_wait3A_429 = arith.constant 0 : i32
      %dma_wait3A_430 = tpu.memref_slice %arg6[%dma_wait3A_429] : memref<16384xi32, #tpu.memory_space<vmem>> -> memref<128xi32, #tpu.memory_space<vmem>>
      %dma_wait3A_431 = arith.constant 0 : i32
      %dma_wait3A_432 = arith.constant 0 : i32
      %dma_wait3A_433 = tpu.memref_slice %arg5[%dma_wait3A_431, %dma_wait3A_432] : memref<8192x64xi32, #tpu.memory_space<vmem_shared>> -> memref<8192x64xi32, #tpu.memory_space<vmem_shared>>
      tpu.wait_indirect_dma semaphore(%arg18 : memref<!tpu.dma_semaphore, #tpu.memory_space<semaphore_mem>>) src(%dma_wait3A_433 : memref<8192x64xi32, #tpu.memory_space<vmem_shared>>) dst(%arg10 : memref<128x64xi32, #tpu.memory_space<vmem>>)
      %mul3A_434 = arith.constant 128 : i32
      %mul3A_435 = arith.muli %add3A_416, %mul3A_434 : i32
      %add3A_436 = arith.addi %mul3A_2, %mul3A_435 : i32
      %dma_start3A_437 = arith.constant 0 : i32
      %dma_start3A_438 = tpu.memref_slice %arg4[%add3A_436, %dma_start3A_437] : memref<524288x64xi32, #tpu.memory_space<hbm>> -> memref<128x64xi32, #tpu.memory_space<hbm>>
      %dma_start3A_439 = arith.constant 0 : i32
      %dma_start3A_440 = tpu.memref_slice %arg4[%add3A_436, %dma_start3A_439] : memref<524288x64xi32, #tpu.memory_space<hbm>> -> memref<128x64xi32, #tpu.memory_space<hbm>>
      tpu.enqueue_dma source(%arg10 : memref<128x64xi32, #tpu.memory_space<vmem>>) target(%dma_start3A_440 : memref<128x64xi32, #tpu.memory_space<hbm>>) target_semaphore(%arg26 : memref<!tpu.dma_semaphore, #tpu.memory_space<semaphore_mem>>)
      %mul3A_441 = arith.constant 8 : i32
      %mul3A_442 = arith.muli %scan3A_328, %mul3A_441 : i32
      %add3A_443 = arith.constant 4 : i32
      %add3A_444 = arith.addi %mul3A_442, %add3A_443 : i32
      %dma_wait3A_445 = arith.constant 0 : i32
      %dma_wait3A_446 = tpu.memref_slice %arg4[%mul3A_2, %dma_wait3A_445] : memref<524288x64xi32, #tpu.memory_space<hbm>> -> memref<128x64xi32, #tpu.memory_space<hbm>>
      %dma_wait3A_447 = arith.constant 0 : i32
      %dma_wait3A_448 = tpu.memref_slice %arg4[%mul3A_2, %dma_wait3A_447] : memref<524288x64xi32, #tpu.memory_space<hbm>> -> memref<128x64xi32, #tpu.memory_space<hbm>>
      tpu.wait_dma2 semaphore(%arg29 : memref<!tpu.dma_semaphore, #tpu.memory_space<semaphore_mem>>) src(%arg13 : memref<128x64xi32, #tpu.memory_space<vmem>>) dst(%dma_wait3A_448 : memref<128x64xi32, #tpu.memory_space<hbm>>)
      %add3A_449 = arith.constant 2 : i32
      %add3A_450 = arith.addi %add3A_444, %add3A_449 : i32
      %mul3A_451 = arith.constant 128 : i32
      %mul3A_452 = arith.muli %add3A_450, %mul3A_451 : i32
      %dma_start3A_453 = tpu.memref_slice %arg6[%mul3A_452] : memref<16384xi32, #tpu.memory_space<vmem>> -> memref<128xi32, #tpu.memory_space<vmem>>
      %dma_start3A_454 = arith.constant 0 : i32
      %dma_start3A_455 = arith.constant 0 : i32
      %dma_start3A_456 = tpu.memref_slice %arg5[%dma_start3A_454, %dma_start3A_455] : memref<8192x64xi32, #tpu.memory_space<vmem_shared>> -> memref<8192x64xi32, #tpu.memory_space<vmem_shared>>
      tpu.enqueue_indirect_dma source(%dma_start3A_456 : memref<8192x64xi32, #tpu.memory_space<vmem_shared>>) target(%arg13 : memref<128x64xi32, #tpu.memory_space<vmem>>) offsets(%dma_start3A_453 : memref<128xi32, #tpu.memory_space<vmem>>) semaphore(%arg21 : memref<!tpu.dma_semaphore, #tpu.memory_space<semaphore_mem>>)
      %dma_wait3A_457 = arith.constant 0 : i32
      %dma_wait3A_458 = tpu.memref_slice %arg6[%dma_wait3A_457] : memref<16384xi32, #tpu.memory_space<vmem>> -> memref<128xi32, #tpu.memory_space<vmem>>
      %dma_wait3A_459 = arith.constant 0 : i32
      %dma_wait3A_460 = arith.constant 0 : i32
      %dma_wait3A_461 = tpu.memref_slice %arg5[%dma_wait3A_459, %dma_wait3A_460] : memref<8192x64xi32, #tpu.memory_space<vmem_shared>> -> memref<8192x64xi32, #tpu.memory_space<vmem_shared>>
      tpu.wait_indirect_dma semaphore(%arg19 : memref<!tpu.dma_semaphore, #tpu.memory_space<semaphore_mem>>) src(%dma_wait3A_461 : memref<8192x64xi32, #tpu.memory_space<vmem_shared>>) dst(%arg11 : memref<128x64xi32, #tpu.memory_space<vmem>>)
      %mul3A_462 = arith.constant 128 : i32
      %mul3A_463 = arith.muli %add3A_444, %mul3A_462 : i32
      %add3A_464 = arith.addi %mul3A_2, %mul3A_463 : i32
      %dma_start3A_465 = arith.constant 0 : i32
      %dma_start3A_466 = tpu.memref_slice %arg4[%add3A_464, %dma_start3A_465] : memref<524288x64xi32, #tpu.memory_space<hbm>> -> memref<128x64xi32, #tpu.memory_space<hbm>>
      %dma_start3A_467 = arith.constant 0 : i32
      %dma_start3A_468 = tpu.memref_slice %arg4[%add3A_464, %dma_start3A_467] : memref<524288x64xi32, #tpu.memory_space<hbm>> -> memref<128x64xi32, #tpu.memory_space<hbm>>
      tpu.enqueue_dma source(%arg11 : memref<128x64xi32, #tpu.memory_space<vmem>>) target(%dma_start3A_468 : memref<128x64xi32, #tpu.memory_space<hbm>>) target_semaphore(%arg27 : memref<!tpu.dma_semaphore, #tpu.memory_space<semaphore_mem>>)
      %mul3A_469 = arith.constant 8 : i32
      %mul3A_470 = arith.muli %scan3A_328, %mul3A_469 : i32
      %add3A_471 = arith.constant 5 : i32
      %add3A_472 = arith.addi %mul3A_470, %add3A_471 : i32
      %dma_wait3A_473 = arith.constant 0 : i32
      %dma_wait3A_474 = tpu.memref_slice %arg4[%mul3A_2, %dma_wait3A_473] : memref<524288x64xi32, #tpu.memory_space<hbm>> -> memref<128x64xi32, #tpu.memory_space<hbm>>
      %dma_wait3A_475 = arith.constant 0 : i32
      %dma_wait3A_476 = tpu.memref_slice %arg4[%mul3A_2, %dma_wait3A_475] : memref<524288x64xi32, #tpu.memory_space<hbm>> -> memref<128x64xi32, #tpu.memory_space<hbm>>
      tpu.wait_dma2 semaphore(%arg30 : memref<!tpu.dma_semaphore, #tpu.memory_space<semaphore_mem>>) src(%arg14 : memref<128x64xi32, #tpu.memory_space<vmem>>) dst(%dma_wait3A_476 : memref<128x64xi32, #tpu.memory_space<hbm>>)
      %add3A_477 = arith.constant 2 : i32
      %add3A_478 = arith.addi %add3A_472, %add3A_477 : i32
      %mul3A_479 = arith.constant 128 : i32
      %mul3A_480 = arith.muli %add3A_478, %mul3A_479 : i32
      %dma_start3A_481 = tpu.memref_slice %arg6[%mul3A_480] : memref<16384xi32, #tpu.memory_space<vmem>> -> memref<128xi32, #tpu.memory_space<vmem>>
      %dma_start3A_482 = arith.constant 0 : i32
      %dma_start3A_483 = arith.constant 0 : i32
      %dma_start3A_484 = tpu.memref_slice %arg5[%dma_start3A_482, %dma_start3A_483] : memref<8192x64xi32, #tpu.memory_space<vmem_shared>> -> memref<8192x64xi32, #tpu.memory_space<vmem_shared>>
      tpu.enqueue_indirect_dma source(%dma_start3A_484 : memref<8192x64xi32, #tpu.memory_space<vmem_shared>>) target(%arg14 : memref<128x64xi32, #tpu.memory_space<vmem>>) offsets(%dma_start3A_481 : memref<128xi32, #tpu.memory_space<vmem>>) semaphore(%arg22 : memref<!tpu.dma_semaphore, #tpu.memory_space<semaphore_mem>>)
      %dma_wait3A_485 = arith.constant 0 : i32
      %dma_wait3A_486 = tpu.memref_slice %arg6[%dma_wait3A_485] : memref<16384xi32, #tpu.memory_space<vmem>> -> memref<128xi32, #tpu.memory_space<vmem>>
      %dma_wait3A_487 = arith.constant 0 : i32
      %dma_wait3A_488 = arith.constant 0 : i32
      %dma_wait3A_489 = tpu.memref_slice %arg5[%dma_wait3A_487, %dma_wait3A_488] : memref<8192x64xi32, #tpu.memory_space<vmem_shared>> -> memref<8192x64xi32, #tpu.memory_space<vmem_shared>>
      tpu.wait_indirect_dma semaphore(%arg20 : memref<!tpu.dma_semaphore, #tpu.memory_space<semaphore_mem>>) src(%dma_wait3A_489 : memref<8192x64xi32, #tpu.memory_space<vmem_shared>>) dst(%arg12 : memref<128x64xi32, #tpu.memory_space<vmem>>)
      %mul3A_490 = arith.constant 128 : i32
      %mul3A_491 = arith.muli %add3A_472, %mul3A_490 : i32
      %add3A_492 = arith.addi %mul3A_2, %mul3A_491 : i32
      %dma_start3A_493 = arith.constant 0 : i32
      %dma_start3A_494 = tpu.memref_slice %arg4[%add3A_492, %dma_start3A_493] : memref<524288x64xi32, #tpu.memory_space<hbm>> -> memref<128x64xi32, #tpu.memory_space<hbm>>
      %dma_start3A_495 = arith.constant 0 : i32
      %dma_start3A_496 = tpu.memref_slice %arg4[%add3A_492, %dma_start3A_495] : memref<524288x64xi32, #tpu.memory_space<hbm>> -> memref<128x64xi32, #tpu.memory_space<hbm>>
      tpu.enqueue_dma source(%arg12 : memref<128x64xi32, #tpu.memory_space<vmem>>) target(%dma_start3A_496 : memref<128x64xi32, #tpu.memory_space<hbm>>) target_semaphore(%arg28 : memref<!tpu.dma_semaphore, #tpu.memory_space<semaphore_mem>>)
      %mul3A_497 = arith.constant 8 : i32
      %mul3A_498 = arith.muli %scan3A_328, %mul3A_497 : i32
      %add3A_499 = arith.constant 6 : i32
      %add3A_500 = arith.addi %mul3A_498, %add3A_499 : i32
      %dma_wait3A_501 = arith.constant 0 : i32
      %dma_wait3A_502 = tpu.memref_slice %arg4[%mul3A_2, %dma_wait3A_501] : memref<524288x64xi32, #tpu.memory_space<hbm>> -> memref<128x64xi32, #tpu.memory_space<hbm>>
      %dma_wait3A_503 = arith.constant 0 : i32
      %dma_wait3A_504 = tpu.memref_slice %arg4[%mul3A_2, %dma_wait3A_503] : memref<524288x64xi32, #tpu.memory_space<hbm>> -> memref<128x64xi32, #tpu.memory_space<hbm>>
      tpu.wait_dma2 semaphore(%arg23 : memref<!tpu.dma_semaphore, #tpu.memory_space<semaphore_mem>>) src(%arg7 : memref<128x64xi32, #tpu.memory_space<vmem>>) dst(%dma_wait3A_504 : memref<128x64xi32, #tpu.memory_space<hbm>>)
      %add3A_505 = arith.constant 2 : i32
      %add3A_506 = arith.addi %add3A_500, %add3A_505 : i32
      %mul3A_507 = arith.constant 128 : i32
      %mul3A_508 = arith.muli %add3A_506, %mul3A_507 : i32
      %dma_start3A_509 = tpu.memref_slice %arg6[%mul3A_508] : memref<16384xi32, #tpu.memory_space<vmem>> -> memref<128xi32, #tpu.memory_space<vmem>>
      %dma_start3A_510 = arith.constant 0 : i32
      %dma_start3A_511 = arith.constant 0 : i32
      %dma_start3A_512 = tpu.memref_slice %arg5[%dma_start3A_510, %dma_start3A_511] : memref<8192x64xi32, #tpu.memory_space<vmem_shared>> -> memref<8192x64xi32, #tpu.memory_space<vmem_shared>>
      tpu.enqueue_indirect_dma source(%dma_start3A_512 : memref<8192x64xi32, #tpu.memory_space<vmem_shared>>) target(%arg7 : memref<128x64xi32, #tpu.memory_space<vmem>>) offsets(%dma_start3A_509 : memref<128xi32, #tpu.memory_space<vmem>>) semaphore(%arg15 : memref<!tpu.dma_semaphore, #tpu.memory_space<semaphore_mem>>)
      %dma_wait3A_513 = arith.constant 0 : i32
      %dma_wait3A_514 = tpu.memref_slice %arg6[%dma_wait3A_513] : memref<16384xi32, #tpu.memory_space<vmem>> -> memref<128xi32, #tpu.memory_space<vmem>>
      %dma_wait3A_515 = arith.constant 0 : i32
      %dma_wait3A_516 = arith.constant 0 : i32
      %dma_wait3A_517 = tpu.memref_slice %arg5[%dma_wait3A_515, %dma_wait3A_516] : memref<8192x64xi32, #tpu.memory_space<vmem_shared>> -> memref<8192x64xi32, #tpu.memory_space<vmem_shared>>
      tpu.wait_indirect_dma semaphore(%arg21 : memref<!tpu.dma_semaphore, #tpu.memory_space<semaphore_mem>>) src(%dma_wait3A_517 : memref<8192x64xi32, #tpu.memory_space<vmem_shared>>) dst(%arg13 : memref<128x64xi32, #tpu.memory_space<vmem>>)
      %mul3A_518 = arith.constant 128 : i32
      %mul3A_519 = arith.muli %add3A_500, %mul3A_518 : i32
      %add3A_520 = arith.addi %mul3A_2, %mul3A_519 : i32
      %dma_start3A_521 = arith.constant 0 : i32
      %dma_start3A_522 = tpu.memref_slice %arg4[%add3A_520, %dma_start3A_521] : memref<524288x64xi32, #tpu.memory_space<hbm>> -> memref<128x64xi32, #tpu.memory_space<hbm>>
      %dma_start3A_523 = arith.constant 0 : i32
      %dma_start3A_524 = tpu.memref_slice %arg4[%add3A_520, %dma_start3A_523] : memref<524288x64xi32, #tpu.memory_space<hbm>> -> memref<128x64xi32, #tpu.memory_space<hbm>>
      tpu.enqueue_dma source(%arg13 : memref<128x64xi32, #tpu.memory_space<vmem>>) target(%dma_start3A_524 : memref<128x64xi32, #tpu.memory_space<hbm>>) target_semaphore(%arg29 : memref<!tpu.dma_semaphore, #tpu.memory_space<semaphore_mem>>)
      %mul3A_525 = arith.constant 8 : i32
      %mul3A_526 = arith.muli %scan3A_328, %mul3A_525 : i32
      %add3A_527 = arith.constant 7 : i32
      %add3A_528 = arith.addi %mul3A_526, %add3A_527 : i32
      %dma_wait3A_529 = arith.constant 0 : i32
      %dma_wait3A_530 = tpu.memref_slice %arg4[%mul3A_2, %dma_wait3A_529] : memref<524288x64xi32, #tpu.memory_space<hbm>> -> memref<128x64xi32, #tpu.memory_space<hbm>>
      %dma_wait3A_531 = arith.constant 0 : i32
      %dma_wait3A_532 = tpu.memref_slice %arg4[%mul3A_2, %dma_wait3A_531] : memref<524288x64xi32, #tpu.memory_space<hbm>> -> memref<128x64xi32, #tpu.memory_space<hbm>>
      tpu.wait_dma2 semaphore(%arg24 : memref<!tpu.dma_semaphore, #tpu.memory_space<semaphore_mem>>) src(%arg8 : memref<128x64xi32, #tpu.memory_space<vmem>>) dst(%dma_wait3A_532 : memref<128x64xi32, #tpu.memory_space<hbm>>)
      %add3A_533 = arith.constant 2 : i32
      %add3A_534 = arith.addi %add3A_528, %add3A_533 : i32
      %mul3A_535 = arith.constant 128 : i32
      %mul3A_536 = arith.muli %add3A_534, %mul3A_535 : i32
      %dma_start3A_537 = tpu.memref_slice %arg6[%mul3A_536] : memref<16384xi32, #tpu.memory_space<vmem>> -> memref<128xi32, #tpu.memory_space<vmem>>
      %dma_start3A_538 = arith.constant 0 : i32
      %dma_start3A_539 = arith.constant 0 : i32
      %dma_start3A_540 = tpu.memref_slice %arg5[%dma_start3A_538, %dma_start3A_539] : memref<8192x64xi32, #tpu.memory_space<vmem_shared>> -> memref<8192x64xi32, #tpu.memory_space<vmem_shared>>
      tpu.enqueue_indirect_dma source(%dma_start3A_540 : memref<8192x64xi32, #tpu.memory_space<vmem_shared>>) target(%arg8 : memref<128x64xi32, #tpu.memory_space<vmem>>) offsets(%dma_start3A_537 : memref<128xi32, #tpu.memory_space<vmem>>) semaphore(%arg16 : memref<!tpu.dma_semaphore, #tpu.memory_space<semaphore_mem>>)
      %dma_wait3A_541 = arith.constant 0 : i32
      %dma_wait3A_542 = tpu.memref_slice %arg6[%dma_wait3A_541] : memref<16384xi32, #tpu.memory_space<vmem>> -> memref<128xi32, #tpu.memory_space<vmem>>
      %dma_wait3A_543 = arith.constant 0 : i32
      %dma_wait3A_544 = arith.constant 0 : i32
      %dma_wait3A_545 = tpu.memref_slice %arg5[%dma_wait3A_543, %dma_wait3A_544] : memref<8192x64xi32, #tpu.memory_space<vmem_shared>> -> memref<8192x64xi32, #tpu.memory_space<vmem_shared>>
      tpu.wait_indirect_dma semaphore(%arg22 : memref<!tpu.dma_semaphore, #tpu.memory_space<semaphore_mem>>) src(%dma_wait3A_545 : memref<8192x64xi32, #tpu.memory_space<vmem_shared>>) dst(%arg14 : memref<128x64xi32, #tpu.memory_space<vmem>>)
      %mul3A_546 = arith.constant 128 : i32
      %mul3A_547 = arith.muli %add3A_528, %mul3A_546 : i32
      %add3A_548 = arith.addi %mul3A_2, %mul3A_547 : i32
      %dma_start3A_549 = arith.constant 0 : i32
      %dma_start3A_550 = tpu.memref_slice %arg4[%add3A_548, %dma_start3A_549] : memref<524288x64xi32, #tpu.memory_space<hbm>> -> memref<128x64xi32, #tpu.memory_space<hbm>>
      %dma_start3A_551 = arith.constant 0 : i32
      %dma_start3A_552 = tpu.memref_slice %arg4[%add3A_548, %dma_start3A_551] : memref<524288x64xi32, #tpu.memory_space<hbm>> -> memref<128x64xi32, #tpu.memory_space<hbm>>
      tpu.enqueue_dma source(%arg14 : memref<128x64xi32, #tpu.memory_space<vmem>>) target(%dma_start3A_552 : memref<128x64xi32, #tpu.memory_space<hbm>>) target_semaphore(%arg30 : memref<!tpu.dma_semaphore, #tpu.memory_space<semaphore_mem>>)
    }
    %scan3A_153 = arith.constant 14 : i32
    %dma_wait3A_154 = arith.constant 0 : i32
    %dma_wait3A_155 = tpu.memref_slice %arg4[%mul3A_2, %dma_wait3A_154] : memref<524288x64xi32, #tpu.memory_space<hbm>> -> memref<128x64xi32, #tpu.memory_space<hbm>>
    %dma_wait3A_156 = arith.constant 0 : i32
    %dma_wait3A_157 = tpu.memref_slice %arg4[%mul3A_2, %dma_wait3A_156] : memref<524288x64xi32, #tpu.memory_space<hbm>> -> memref<128x64xi32, #tpu.memory_space<hbm>>
    tpu.wait_dma2 semaphore(%arg25 : memref<!tpu.dma_semaphore, #tpu.memory_space<semaphore_mem>>) src(%arg9 : memref<128x64xi32, #tpu.memory_space<vmem>>) dst(%dma_wait3A_157 : memref<128x64xi32, #tpu.memory_space<hbm>>)
    %dma_start3A_158 = arith.constant 15616 : i32
    %dma_start3A_159 = tpu.memref_slice %arg6[%dma_start3A_158] : memref<16384xi32, #tpu.memory_space<vmem>> -> memref<128xi32, #tpu.memory_space<vmem>>
    %dma_start3A_160 = arith.constant 0 : i32
    %dma_start3A_161 = arith.constant 0 : i32
    %dma_start3A_162 = tpu.memref_slice %arg5[%dma_start3A_160, %dma_start3A_161] : memref<8192x64xi32, #tpu.memory_space<vmem_shared>> -> memref<8192x64xi32, #tpu.memory_space<vmem_shared>>
    tpu.enqueue_indirect_dma source(%dma_start3A_162 : memref<8192x64xi32, #tpu.memory_space<vmem_shared>>) target(%arg9 : memref<128x64xi32, #tpu.memory_space<vmem>>) offsets(%dma_start3A_159 : memref<128xi32, #tpu.memory_space<vmem>>) semaphore(%arg17 : memref<!tpu.dma_semaphore, #tpu.memory_space<semaphore_mem>>)
    %dma_wait3A_163 = arith.constant 0 : i32
    %dma_wait3A_164 = tpu.memref_slice %arg6[%dma_wait3A_163] : memref<16384xi32, #tpu.memory_space<vmem>> -> memref<128xi32, #tpu.memory_space<vmem>>
    %dma_wait3A_165 = arith.constant 0 : i32
    %dma_wait3A_166 = arith.constant 0 : i32
    %dma_wait3A_167 = tpu.memref_slice %arg5[%dma_wait3A_165, %dma_wait3A_166] : memref<8192x64xi32, #tpu.memory_space<vmem_shared>> -> memref<8192x64xi32, #tpu.memory_space<vmem_shared>>
    tpu.wait_indirect_dma semaphore(%arg15 : memref<!tpu.dma_semaphore, #tpu.memory_space<semaphore_mem>>) src(%dma_wait3A_167 : memref<8192x64xi32, #tpu.memory_space<vmem_shared>>) dst(%arg7 : memref<128x64xi32, #tpu.memory_space<vmem>>)
    %add3A_168 = arith.constant 15360 : i32
    %add3A_169 = arith.addi %mul3A_2, %add3A_168 : i32
    %dma_start3A_170 = arith.constant 0 : i32
    %dma_start3A_171 = tpu.memref_slice %arg4[%add3A_169, %dma_start3A_170] : memref<524288x64xi32, #tpu.memory_space<hbm>> -> memref<128x64xi32, #tpu.memory_space<hbm>>
    %dma_start3A_172 = arith.constant 0 : i32
    %dma_start3A_173 = tpu.memref_slice %arg4[%add3A_169, %dma_start3A_172] : memref<524288x64xi32, #tpu.memory_space<hbm>> -> memref<128x64xi32, #tpu.memory_space<hbm>>
    tpu.enqueue_dma source(%arg7 : memref<128x64xi32, #tpu.memory_space<vmem>>) target(%dma_start3A_173 : memref<128x64xi32, #tpu.memory_space<hbm>>) target_semaphore(%arg23 : memref<!tpu.dma_semaphore, #tpu.memory_space<semaphore_mem>>)
    %dma_wait3A_174 = arith.constant 0 : i32
    %dma_wait3A_175 = tpu.memref_slice %arg4[%mul3A_2, %dma_wait3A_174] : memref<524288x64xi32, #tpu.memory_space<hbm>> -> memref<128x64xi32, #tpu.memory_space<hbm>>
    %dma_wait3A_176 = arith.constant 0 : i32
    %dma_wait3A_177 = tpu.memref_slice %arg4[%mul3A_2, %dma_wait3A_176] : memref<524288x64xi32, #tpu.memory_space<hbm>> -> memref<128x64xi32, #tpu.memory_space<hbm>>
    tpu.wait_dma2 semaphore(%arg26 : memref<!tpu.dma_semaphore, #tpu.memory_space<semaphore_mem>>) src(%arg10 : memref<128x64xi32, #tpu.memory_space<vmem>>) dst(%dma_wait3A_177 : memref<128x64xi32, #tpu.memory_space<hbm>>)
    %dma_start3A_178 = arith.constant 15744 : i32
    %dma_start3A_179 = tpu.memref_slice %arg6[%dma_start3A_178] : memref<16384xi32, #tpu.memory_space<vmem>> -> memref<128xi32, #tpu.memory_space<vmem>>
    %dma_start3A_180 = arith.constant 0 : i32
    %dma_start3A_181 = arith.constant 0 : i32
    %dma_start3A_182 = tpu.memref_slice %arg5[%dma_start3A_180, %dma_start3A_181] : memref<8192x64xi32, #tpu.memory_space<vmem_shared>> -> memref<8192x64xi32, #tpu.memory_space<vmem_shared>>
    tpu.enqueue_indirect_dma source(%dma_start3A_182 : memref<8192x64xi32, #tpu.memory_space<vmem_shared>>) target(%arg10 : memref<128x64xi32, #tpu.memory_space<vmem>>) offsets(%dma_start3A_179 : memref<128xi32, #tpu.memory_space<vmem>>) semaphore(%arg18 : memref<!tpu.dma_semaphore, #tpu.memory_space<semaphore_mem>>)
    %dma_wait3A_183 = arith.constant 0 : i32
    %dma_wait3A_184 = tpu.memref_slice %arg6[%dma_wait3A_183] : memref<16384xi32, #tpu.memory_space<vmem>> -> memref<128xi32, #tpu.memory_space<vmem>>
    %dma_wait3A_185 = arith.constant 0 : i32
    %dma_wait3A_186 = arith.constant 0 : i32
    %dma_wait3A_187 = tpu.memref_slice %arg5[%dma_wait3A_185, %dma_wait3A_186] : memref<8192x64xi32, #tpu.memory_space<vmem_shared>> -> memref<8192x64xi32, #tpu.memory_space<vmem_shared>>
    tpu.wait_indirect_dma semaphore(%arg16 : memref<!tpu.dma_semaphore, #tpu.memory_space<semaphore_mem>>) src(%dma_wait3A_187 : memref<8192x64xi32, #tpu.memory_space<vmem_shared>>) dst(%arg8 : memref<128x64xi32, #tpu.memory_space<vmem>>)
    %add3A_188 = arith.constant 15488 : i32
    %add3A_189 = arith.addi %mul3A_2, %add3A_188 : i32
    %dma_start3A_190 = arith.constant 0 : i32
    %dma_start3A_191 = tpu.memref_slice %arg4[%add3A_189, %dma_start3A_190] : memref<524288x64xi32, #tpu.memory_space<hbm>> -> memref<128x64xi32, #tpu.memory_space<hbm>>
    %dma_start3A_192 = arith.constant 0 : i32
    %dma_start3A_193 = tpu.memref_slice %arg4[%add3A_189, %dma_start3A_192] : memref<524288x64xi32, #tpu.memory_space<hbm>> -> memref<128x64xi32, #tpu.memory_space<hbm>>
    tpu.enqueue_dma source(%arg8 : memref<128x64xi32, #tpu.memory_space<vmem>>) target(%dma_start3A_193 : memref<128x64xi32, #tpu.memory_space<hbm>>) target_semaphore(%arg24 : memref<!tpu.dma_semaphore, #tpu.memory_space<semaphore_mem>>)
    %dma_wait3A_194 = arith.constant 0 : i32
    %dma_wait3A_195 = tpu.memref_slice %arg4[%mul3A_2, %dma_wait3A_194] : memref<524288x64xi32, #tpu.memory_space<hbm>> -> memref<128x64xi32, #tpu.memory_space<hbm>>
    %dma_wait3A_196 = arith.constant 0 : i32
    %dma_wait3A_197 = tpu.memref_slice %arg4[%mul3A_2, %dma_wait3A_196] : memref<524288x64xi32, #tpu.memory_space<hbm>> -> memref<128x64xi32, #tpu.memory_space<hbm>>
    tpu.wait_dma2 semaphore(%arg27 : memref<!tpu.dma_semaphore, #tpu.memory_space<semaphore_mem>>) src(%arg11 : memref<128x64xi32, #tpu.memory_space<vmem>>) dst(%dma_wait3A_197 : memref<128x64xi32, #tpu.memory_space<hbm>>)
    %dma_start3A_198 = arith.constant 15872 : i32
    %dma_start3A_199 = tpu.memref_slice %arg6[%dma_start3A_198] : memref<16384xi32, #tpu.memory_space<vmem>> -> memref<128xi32, #tpu.memory_space<vmem>>
    %dma_start3A_200 = arith.constant 0 : i32
    %dma_start3A_201 = arith.constant 0 : i32
    %dma_start3A_202 = tpu.memref_slice %arg5[%dma_start3A_200, %dma_start3A_201] : memref<8192x64xi32, #tpu.memory_space<vmem_shared>> -> memref<8192x64xi32, #tpu.memory_space<vmem_shared>>
    tpu.enqueue_indirect_dma source(%dma_start3A_202 : memref<8192x64xi32, #tpu.memory_space<vmem_shared>>) target(%arg11 : memref<128x64xi32, #tpu.memory_space<vmem>>) offsets(%dma_start3A_199 : memref<128xi32, #tpu.memory_space<vmem>>) semaphore(%arg19 : memref<!tpu.dma_semaphore, #tpu.memory_space<semaphore_mem>>)
    %dma_wait3A_203 = arith.constant 0 : i32
    %dma_wait3A_204 = tpu.memref_slice %arg6[%dma_wait3A_203] : memref<16384xi32, #tpu.memory_space<vmem>> -> memref<128xi32, #tpu.memory_space<vmem>>
    %dma_wait3A_205 = arith.constant 0 : i32
    %dma_wait3A_206 = arith.constant 0 : i32
    %dma_wait3A_207 = tpu.memref_slice %arg5[%dma_wait3A_205, %dma_wait3A_206] : memref<8192x64xi32, #tpu.memory_space<vmem_shared>> -> memref<8192x64xi32, #tpu.memory_space<vmem_shared>>
    tpu.wait_indirect_dma semaphore(%arg17 : memref<!tpu.dma_semaphore, #tpu.memory_space<semaphore_mem>>) src(%dma_wait3A_207 : memref<8192x64xi32, #tpu.memory_space<vmem_shared>>) dst(%arg9 : memref<128x64xi32, #tpu.memory_space<vmem>>)
    %add3A_208 = arith.constant 15616 : i32
    %add3A_209 = arith.addi %mul3A_2, %add3A_208 : i32
    %dma_start3A_210 = arith.constant 0 : i32
    %dma_start3A_211 = tpu.memref_slice %arg4[%add3A_209, %dma_start3A_210] : memref<524288x64xi32, #tpu.memory_space<hbm>> -> memref<128x64xi32, #tpu.memory_space<hbm>>
    %dma_start3A_212 = arith.constant 0 : i32
    %dma_start3A_213 = tpu.memref_slice %arg4[%add3A_209, %dma_start3A_212] : memref<524288x64xi32, #tpu.memory_space<hbm>> -> memref<128x64xi32, #tpu.memory_space<hbm>>
    tpu.enqueue_dma source(%arg9 : memref<128x64xi32, #tpu.memory_space<vmem>>) target(%dma_start3A_213 : memref<128x64xi32, #tpu.memory_space<hbm>>) target_semaphore(%arg25 : memref<!tpu.dma_semaphore, #tpu.memory_space<semaphore_mem>>)
    %dma_wait3A_214 = arith.constant 0 : i32
    %dma_wait3A_215 = tpu.memref_slice %arg4[%mul3A_2, %dma_wait3A_214] : memref<524288x64xi32, #tpu.memory_space<hbm>> -> memref<128x64xi32, #tpu.memory_space<hbm>>
    %dma_wait3A_216 = arith.constant 0 : i32
    %dma_wait3A_217 = tpu.memref_slice %arg4[%mul3A_2, %dma_wait3A_216] : memref<524288x64xi32, #tpu.memory_space<hbm>> -> memref<128x64xi32, #tpu.memory_space<hbm>>
    tpu.wait_dma2 semaphore(%arg28 : memref<!tpu.dma_semaphore, #tpu.memory_space<semaphore_mem>>) src(%arg12 : memref<128x64xi32, #tpu.memory_space<vmem>>) dst(%dma_wait3A_217 : memref<128x64xi32, #tpu.memory_space<hbm>>)
    %dma_start3A_218 = arith.constant 16000 : i32
    %dma_start3A_219 = tpu.memref_slice %arg6[%dma_start3A_218] : memref<16384xi32, #tpu.memory_space<vmem>> -> memref<128xi32, #tpu.memory_space<vmem>>
    %dma_start3A_220 = arith.constant 0 : i32
    %dma_start3A_221 = arith.constant 0 : i32
    %dma_start3A_222 = tpu.memref_slice %arg5[%dma_start3A_220, %dma_start3A_221] : memref<8192x64xi32, #tpu.memory_space<vmem_shared>> -> memref<8192x64xi32, #tpu.memory_space<vmem_shared>>
    tpu.enqueue_indirect_dma source(%dma_start3A_222 : memref<8192x64xi32, #tpu.memory_space<vmem_shared>>) target(%arg12 : memref<128x64xi32, #tpu.memory_space<vmem>>) offsets(%dma_start3A_219 : memref<128xi32, #tpu.memory_space<vmem>>) semaphore(%arg20 : memref<!tpu.dma_semaphore, #tpu.memory_space<semaphore_mem>>)
    %dma_wait3A_223 = arith.constant 0 : i32
    %dma_wait3A_224 = tpu.memref_slice %arg6[%dma_wait3A_223] : memref<16384xi32, #tpu.memory_space<vmem>> -> memref<128xi32, #tpu.memory_space<vmem>>
    %dma_wait3A_225 = arith.constant 0 : i32
    %dma_wait3A_226 = arith.constant 0 : i32
    %dma_wait3A_227 = tpu.memref_slice %arg5[%dma_wait3A_225, %dma_wait3A_226] : memref<8192x64xi32, #tpu.memory_space<vmem_shared>> -> memref<8192x64xi32, #tpu.memory_space<vmem_shared>>
    tpu.wait_indirect_dma semaphore(%arg18 : memref<!tpu.dma_semaphore, #tpu.memory_space<semaphore_mem>>) src(%dma_wait3A_227 : memref<8192x64xi32, #tpu.memory_space<vmem_shared>>) dst(%arg10 : memref<128x64xi32, #tpu.memory_space<vmem>>)
    %add3A_228 = arith.constant 15744 : i32
    %add3A_229 = arith.addi %mul3A_2, %add3A_228 : i32
    %dma_start3A_230 = arith.constant 0 : i32
    %dma_start3A_231 = tpu.memref_slice %arg4[%add3A_229, %dma_start3A_230] : memref<524288x64xi32, #tpu.memory_space<hbm>> -> memref<128x64xi32, #tpu.memory_space<hbm>>
    %dma_start3A_232 = arith.constant 0 : i32
    %dma_start3A_233 = tpu.memref_slice %arg4[%add3A_229, %dma_start3A_232] : memref<524288x64xi32, #tpu.memory_space<hbm>> -> memref<128x64xi32, #tpu.memory_space<hbm>>
    tpu.enqueue_dma source(%arg10 : memref<128x64xi32, #tpu.memory_space<vmem>>) target(%dma_start3A_233 : memref<128x64xi32, #tpu.memory_space<hbm>>) target_semaphore(%arg26 : memref<!tpu.dma_semaphore, #tpu.memory_space<semaphore_mem>>)
    %dma_wait3A_234 = arith.constant 0 : i32
    %dma_wait3A_235 = tpu.memref_slice %arg4[%mul3A_2, %dma_wait3A_234] : memref<524288x64xi32, #tpu.memory_space<hbm>> -> memref<128x64xi32, #tpu.memory_space<hbm>>
    %dma_wait3A_236 = arith.constant 0 : i32
    %dma_wait3A_237 = tpu.memref_slice %arg4[%mul3A_2, %dma_wait3A_236] : memref<524288x64xi32, #tpu.memory_space<hbm>> -> memref<128x64xi32, #tpu.memory_space<hbm>>
    tpu.wait_dma2 semaphore(%arg29 : memref<!tpu.dma_semaphore, #tpu.memory_space<semaphore_mem>>) src(%arg13 : memref<128x64xi32, #tpu.memory_space<vmem>>) dst(%dma_wait3A_237 : memref<128x64xi32, #tpu.memory_space<hbm>>)
    %dma_start3A_238 = arith.constant 16128 : i32
    %dma_start3A_239 = tpu.memref_slice %arg6[%dma_start3A_238] : memref<16384xi32, #tpu.memory_space<vmem>> -> memref<128xi32, #tpu.memory_space<vmem>>
    %dma_start3A_240 = arith.constant 0 : i32
    %dma_start3A_241 = arith.constant 0 : i32
    %dma_start3A_242 = tpu.memref_slice %arg5[%dma_start3A_240, %dma_start3A_241] : memref<8192x64xi32, #tpu.memory_space<vmem_shared>> -> memref<8192x64xi32, #tpu.memory_space<vmem_shared>>
    tpu.enqueue_indirect_dma source(%dma_start3A_242 : memref<8192x64xi32, #tpu.memory_space<vmem_shared>>) target(%arg13 : memref<128x64xi32, #tpu.memory_space<vmem>>) offsets(%dma_start3A_239 : memref<128xi32, #tpu.memory_space<vmem>>) semaphore(%arg21 : memref<!tpu.dma_semaphore, #tpu.memory_space<semaphore_mem>>)
    %dma_wait3A_243 = arith.constant 0 : i32
    %dma_wait3A_244 = tpu.memref_slice %arg6[%dma_wait3A_243] : memref<16384xi32, #tpu.memory_space<vmem>> -> memref<128xi32, #tpu.memory_space<vmem>>
    %dma_wait3A_245 = arith.constant 0 : i32
    %dma_wait3A_246 = arith.constant 0 : i32
    %dma_wait3A_247 = tpu.memref_slice %arg5[%dma_wait3A_245, %dma_wait3A_246] : memref<8192x64xi32, #tpu.memory_space<vmem_shared>> -> memref<8192x64xi32, #tpu.memory_space<vmem_shared>>
    tpu.wait_indirect_dma semaphore(%arg19 : memref<!tpu.dma_semaphore, #tpu.memory_space<semaphore_mem>>) src(%dma_wait3A_247 : memref<8192x64xi32, #tpu.memory_space<vmem_shared>>) dst(%arg11 : memref<128x64xi32, #tpu.memory_space<vmem>>)
    %add3A_248 = arith.constant 15872 : i32
    %add3A_249 = arith.addi %mul3A_2, %add3A_248 : i32
    %dma_start3A_250 = arith.constant 0 : i32
    %dma_start3A_251 = tpu.memref_slice %arg4[%add3A_249, %dma_start3A_250] : memref<524288x64xi32, #tpu.memory_space<hbm>> -> memref<128x64xi32, #tpu.memory_space<hbm>>
    %dma_start3A_252 = arith.constant 0 : i32
    %dma_start3A_253 = tpu.memref_slice %arg4[%add3A_249, %dma_start3A_252] : memref<524288x64xi32, #tpu.memory_space<hbm>> -> memref<128x64xi32, #tpu.memory_space<hbm>>
    tpu.enqueue_dma source(%arg11 : memref<128x64xi32, #tpu.memory_space<vmem>>) target(%dma_start3A_253 : memref<128x64xi32, #tpu.memory_space<hbm>>) target_semaphore(%arg27 : memref<!tpu.dma_semaphore, #tpu.memory_space<semaphore_mem>>)
    %dma_wait3A_254 = arith.constant 0 : i32
    %dma_wait3A_255 = tpu.memref_slice %arg4[%mul3A_2, %dma_wait3A_254] : memref<524288x64xi32, #tpu.memory_space<hbm>> -> memref<128x64xi32, #tpu.memory_space<hbm>>
    %dma_wait3A_256 = arith.constant 0 : i32
    %dma_wait3A_257 = tpu.memref_slice %arg4[%mul3A_2, %dma_wait3A_256] : memref<524288x64xi32, #tpu.memory_space<hbm>> -> memref<128x64xi32, #tpu.memory_space<hbm>>
    tpu.wait_dma2 semaphore(%arg30 : memref<!tpu.dma_semaphore, #tpu.memory_space<semaphore_mem>>) src(%arg14 : memref<128x64xi32, #tpu.memory_space<vmem>>) dst(%dma_wait3A_257 : memref<128x64xi32, #tpu.memory_space<hbm>>)
    %dma_start3A_258 = arith.constant 16256 : i32
    %dma_start3A_259 = tpu.memref_slice %arg6[%dma_start3A_258] : memref<16384xi32, #tpu.memory_space<vmem>> -> memref<128xi32, #tpu.memory_space<vmem>>
    %dma_start3A_260 = arith.constant 0 : i32
    %dma_start3A_261 = arith.constant 0 : i32
    %dma_start3A_262 = tpu.memref_slice %arg5[%dma_start3A_260, %dma_start3A_261] : memref<8192x64xi32, #tpu.memory_space<vmem_shared>> -> memref<8192x64xi32, #tpu.memory_space<vmem_shared>>
    tpu.enqueue_indirect_dma source(%dma_start3A_262 : memref<8192x64xi32, #tpu.memory_space<vmem_shared>>) target(%arg14 : memref<128x64xi32, #tpu.memory_space<vmem>>) offsets(%dma_start3A_259 : memref<128xi32, #tpu.memory_space<vmem>>) semaphore(%arg22 : memref<!tpu.dma_semaphore, #tpu.memory_space<semaphore_mem>>)
    %dma_wait3A_263 = arith.constant 0 : i32
    %dma_wait3A_264 = tpu.memref_slice %arg6[%dma_wait3A_263] : memref<16384xi32, #tpu.memory_space<vmem>> -> memref<128xi32, #tpu.memory_space<vmem>>
    %dma_wait3A_265 = arith.constant 0 : i32
    %dma_wait3A_266 = arith.constant 0 : i32
    %dma_wait3A_267 = tpu.memref_slice %arg5[%dma_wait3A_265, %dma_wait3A_266] : memref<8192x64xi32, #tpu.memory_space<vmem_shared>> -> memref<8192x64xi32, #tpu.memory_space<vmem_shared>>
    tpu.wait_indirect_dma semaphore(%arg20 : memref<!tpu.dma_semaphore, #tpu.memory_space<semaphore_mem>>) src(%dma_wait3A_267 : memref<8192x64xi32, #tpu.memory_space<vmem_shared>>) dst(%arg12 : memref<128x64xi32, #tpu.memory_space<vmem>>)
    %add3A_268 = arith.constant 16000 : i32
    %add3A_269 = arith.addi %mul3A_2, %add3A_268 : i32
    %dma_start3A_270 = arith.constant 0 : i32
    %dma_start3A_271 = tpu.memref_slice %arg4[%add3A_269, %dma_start3A_270] : memref<524288x64xi32, #tpu.memory_space<hbm>> -> memref<128x64xi32, #tpu.memory_space<hbm>>
    %dma_start3A_272 = arith.constant 0 : i32
    %dma_start3A_273 = tpu.memref_slice %arg4[%add3A_269, %dma_start3A_272] : memref<524288x64xi32, #tpu.memory_space<hbm>> -> memref<128x64xi32, #tpu.memory_space<hbm>>
    tpu.enqueue_dma source(%arg12 : memref<128x64xi32, #tpu.memory_space<vmem>>) target(%dma_start3A_273 : memref<128x64xi32, #tpu.memory_space<hbm>>) target_semaphore(%arg28 : memref<!tpu.dma_semaphore, #tpu.memory_space<semaphore_mem>>)
    %dma_wait3A_274 = arith.constant 0 : i32
    %dma_wait3A_275 = tpu.memref_slice %arg6[%dma_wait3A_274] : memref<16384xi32, #tpu.memory_space<vmem>> -> memref<128xi32, #tpu.memory_space<vmem>>
    %dma_wait3A_276 = arith.constant 0 : i32
    %dma_wait3A_277 = arith.constant 0 : i32
    %dma_wait3A_278 = tpu.memref_slice %arg5[%dma_wait3A_276, %dma_wait3A_277] : memref<8192x64xi32, #tpu.memory_space<vmem_shared>> -> memref<8192x64xi32, #tpu.memory_space<vmem_shared>>
    tpu.wait_indirect_dma semaphore(%arg21 : memref<!tpu.dma_semaphore, #tpu.memory_space<semaphore_mem>>) src(%dma_wait3A_278 : memref<8192x64xi32, #tpu.memory_space<vmem_shared>>) dst(%arg13 : memref<128x64xi32, #tpu.memory_space<vmem>>)
    %add3A_279 = arith.constant 16128 : i32
    %add3A_280 = arith.addi %mul3A_2, %add3A_279 : i32
    %dma_start3A_281 = arith.constant 0 : i32
    %dma_start3A_282 = tpu.memref_slice %arg4[%add3A_280, %dma_start3A_281] : memref<524288x64xi32, #tpu.memory_space<hbm>> -> memref<128x64xi32, #tpu.memory_space<hbm>>
    %dma_start3A_283 = arith.constant 0 : i32
    %dma_start3A_284 = tpu.memref_slice %arg4[%add3A_280, %dma_start3A_283] : memref<524288x64xi32, #tpu.memory_space<hbm>> -> memref<128x64xi32, #tpu.memory_space<hbm>>
    tpu.enqueue_dma source(%arg13 : memref<128x64xi32, #tpu.memory_space<vmem>>) target(%dma_start3A_284 : memref<128x64xi32, #tpu.memory_space<hbm>>) target_semaphore(%arg29 : memref<!tpu.dma_semaphore, #tpu.memory_space<semaphore_mem>>)
    %dma_wait3A_285 = arith.constant 0 : i32
    %dma_wait3A_286 = tpu.memref_slice %arg6[%dma_wait3A_285] : memref<16384xi32, #tpu.memory_space<vmem>> -> memref<128xi32, #tpu.memory_space<vmem>>
    %dma_wait3A_287 = arith.constant 0 : i32
    %dma_wait3A_288 = arith.constant 0 : i32
    %dma_wait3A_289 = tpu.memref_slice %arg5[%dma_wait3A_287, %dma_wait3A_288] : memref<8192x64xi32, #tpu.memory_space<vmem_shared>> -> memref<8192x64xi32, #tpu.memory_space<vmem_shared>>
    tpu.wait_indirect_dma semaphore(%arg22 : memref<!tpu.dma_semaphore, #tpu.memory_space<semaphore_mem>>) src(%dma_wait3A_289 : memref<8192x64xi32, #tpu.memory_space<vmem_shared>>) dst(%arg14 : memref<128x64xi32, #tpu.memory_space<vmem>>)
    %add3A_290 = arith.constant 16256 : i32
    %add3A_291 = arith.addi %mul3A_2, %add3A_290 : i32
    %dma_start3A_292 = arith.constant 0 : i32
    %dma_start3A_293 = tpu.memref_slice %arg4[%add3A_291, %dma_start3A_292] : memref<524288x64xi32, #tpu.memory_space<hbm>> -> memref<128x64xi32, #tpu.memory_space<hbm>>
    %dma_start3A_294 = arith.constant 0 : i32
    %dma_start3A_295 = tpu.memref_slice %arg4[%add3A_291, %dma_start3A_294] : memref<524288x64xi32, #tpu.memory_space<hbm>> -> memref<128x64xi32, #tpu.memory_space<hbm>>
    tpu.enqueue_dma source(%arg14 : memref<128x64xi32, #tpu.memory_space<vmem>>) target(%dma_start3A_295 : memref<128x64xi32, #tpu.memory_space<hbm>>) target_semaphore(%arg30 : memref<!tpu.dma_semaphore, #tpu.memory_space<semaphore_mem>>)
    %dma_wait3A_296 = arith.constant 0 : i32
    %dma_wait3A_297 = tpu.memref_slice %arg4[%mul3A_2, %dma_wait3A_296] : memref<524288x64xi32, #tpu.memory_space<hbm>> -> memref<128x64xi32, #tpu.memory_space<hbm>>
    %dma_wait3A_298 = arith.constant 0 : i32
    %dma_wait3A_299 = tpu.memref_slice %arg4[%mul3A_2, %dma_wait3A_298] : memref<524288x64xi32, #tpu.memory_space<hbm>> -> memref<128x64xi32, #tpu.memory_space<hbm>>
    tpu.wait_dma2 semaphore(%arg23 : memref<!tpu.dma_semaphore, #tpu.memory_space<semaphore_mem>>) src(%arg7 : memref<128x64xi32, #tpu.memory_space<vmem>>) dst(%dma_wait3A_299 : memref<128x64xi32, #tpu.memory_space<hbm>>)
    %dma_wait3A_300 = arith.constant 0 : i32
    %dma_wait3A_301 = tpu.memref_slice %arg4[%mul3A_2, %dma_wait3A_300] : memref<524288x64xi32, #tpu.memory_space<hbm>> -> memref<128x64xi32, #tpu.memory_space<hbm>>
    %dma_wait3A_302 = arith.constant 0 : i32
    %dma_wait3A_303 = tpu.memref_slice %arg4[%mul3A_2, %dma_wait3A_302] : memref<524288x64xi32, #tpu.memory_space<hbm>> -> memref<128x64xi32, #tpu.memory_space<hbm>>
    tpu.wait_dma2 semaphore(%arg24 : memref<!tpu.dma_semaphore, #tpu.memory_space<semaphore_mem>>) src(%arg8 : memref<128x64xi32, #tpu.memory_space<vmem>>) dst(%dma_wait3A_303 : memref<128x64xi32, #tpu.memory_space<hbm>>)
    %dma_wait3A_304 = arith.constant 0 : i32
    %dma_wait3A_305 = tpu.memref_slice %arg4[%mul3A_2, %dma_wait3A_304] : memref<524288x64xi32, #tpu.memory_space<hbm>> -> memref<128x64xi32, #tpu.memory_space<hbm>>
    %dma_wait3A_306 = arith.constant 0 : i32
    %dma_wait3A_307 = tpu.memref_slice %arg4[%mul3A_2, %dma_wait3A_306] : memref<524288x64xi32, #tpu.memory_space<hbm>> -> memref<128x64xi32, #tpu.memory_space<hbm>>
    tpu.wait_dma2 semaphore(%arg25 : memref<!tpu.dma_semaphore, #tpu.memory_space<semaphore_mem>>) src(%arg9 : memref<128x64xi32, #tpu.memory_space<vmem>>) dst(%dma_wait3A_307 : memref<128x64xi32, #tpu.memory_space<hbm>>)
    %dma_wait3A_308 = arith.constant 0 : i32
    %dma_wait3A_309 = tpu.memref_slice %arg4[%mul3A_2, %dma_wait3A_308] : memref<524288x64xi32, #tpu.memory_space<hbm>> -> memref<128x64xi32, #tpu.memory_space<hbm>>
    %dma_wait3A_310 = arith.constant 0 : i32
    %dma_wait3A_311 = tpu.memref_slice %arg4[%mul3A_2, %dma_wait3A_310] : memref<524288x64xi32, #tpu.memory_space<hbm>> -> memref<128x64xi32, #tpu.memory_space<hbm>>
    tpu.wait_dma2 semaphore(%arg26 : memref<!tpu.dma_semaphore, #tpu.memory_space<semaphore_mem>>) src(%arg10 : memref<128x64xi32, #tpu.memory_space<vmem>>) dst(%dma_wait3A_311 : memref<128x64xi32, #tpu.memory_space<hbm>>)
    %dma_wait3A_312 = arith.constant 0 : i32
    %dma_wait3A_313 = tpu.memref_slice %arg4[%mul3A_2, %dma_wait3A_312] : memref<524288x64xi32, #tpu.memory_space<hbm>> -> memref<128x64xi32, #tpu.memory_space<hbm>>
    %dma_wait3A_314 = arith.constant 0 : i32
    %dma_wait3A_315 = tpu.memref_slice %arg4[%mul3A_2, %dma_wait3A_314] : memref<524288x64xi32, #tpu.memory_space<hbm>> -> memref<128x64xi32, #tpu.memory_space<hbm>>
    tpu.wait_dma2 semaphore(%arg27 : memref<!tpu.dma_semaphore, #tpu.memory_space<semaphore_mem>>) src(%arg11 : memref<128x64xi32, #tpu.memory_space<vmem>>) dst(%dma_wait3A_315 : memref<128x64xi32, #tpu.memory_space<hbm>>)
    %dma_wait3A_316 = arith.constant 0 : i32
    %dma_wait3A_317 = tpu.memref_slice %arg4[%mul3A_2, %dma_wait3A_316] : memref<524288x64xi32, #tpu.memory_space<hbm>> -> memref<128x64xi32, #tpu.memory_space<hbm>>
    %dma_wait3A_318 = arith.constant 0 : i32
    %dma_wait3A_319 = tpu.memref_slice %arg4[%mul3A_2, %dma_wait3A_318] : memref<524288x64xi32, #tpu.memory_space<hbm>> -> memref<128x64xi32, #tpu.memory_space<hbm>>
    tpu.wait_dma2 semaphore(%arg28 : memref<!tpu.dma_semaphore, #tpu.memory_space<semaphore_mem>>) src(%arg12 : memref<128x64xi32, #tpu.memory_space<vmem>>) dst(%dma_wait3A_319 : memref<128x64xi32, #tpu.memory_space<hbm>>)
    %dma_wait3A_320 = arith.constant 0 : i32
    %dma_wait3A_321 = tpu.memref_slice %arg4[%mul3A_2, %dma_wait3A_320] : memref<524288x64xi32, #tpu.memory_space<hbm>> -> memref<128x64xi32, #tpu.memory_space<hbm>>
    %dma_wait3A_322 = arith.constant 0 : i32
    %dma_wait3A_323 = tpu.memref_slice %arg4[%mul3A_2, %dma_wait3A_322] : memref<524288x64xi32, #tpu.memory_space<hbm>> -> memref<128x64xi32, #tpu.memory_space<hbm>>
    tpu.wait_dma2 semaphore(%arg29 : memref<!tpu.dma_semaphore, #tpu.memory_space<semaphore_mem>>) src(%arg13 : memref<128x64xi32, #tpu.memory_space<vmem>>) dst(%dma_wait3A_323 : memref<128x64xi32, #tpu.memory_space<hbm>>)
    %dma_wait3A_324 = arith.constant 0 : i32
    %dma_wait3A_325 = tpu.memref_slice %arg4[%mul3A_2, %dma_wait3A_324] : memref<524288x64xi32, #tpu.memory_space<hbm>> -> memref<128x64xi32, #tpu.memory_space<hbm>>
    %dma_wait3A_326 = arith.constant 0 : i32
    %dma_wait3A_327 = tpu.memref_slice %arg4[%mul3A_2, %dma_wait3A_326] : memref<524288x64xi32, #tpu.memory_space<hbm>> -> memref<128x64xi32, #tpu.memory_space<hbm>>
    tpu.wait_dma2 semaphore(%arg30 : memref<!tpu.dma_semaphore, #tpu.memory_space<semaphore_mem>>) src(%arg14 : memref<128x64xi32, #tpu.memory_space<vmem>>) dst(%dma_wait3A_327 : memref<128x64xi32, #tpu.memory_space<hbm>>)
    return
  }
}

module attributes {stable_mosaic.version = 14 : i64} {
  func.func @_tc_body(%arg0: i32, %arg1: memref<2048x128xf32, #tpu.memory_space<vmem>>, %arg2: memref<131072xi32, #tpu.memory_space<vmem>>, %arg3: memref<128x128xbf16, #tpu.memory_space<vmem>>, %arg4: memref<1x128xf32, #tpu.memory_space<vmem>>, %arg5: memref<128x128xbf16, #tpu.memory_space<vmem>>, %arg6: memref<1x128xf32, #tpu.memory_space<vmem>>, %arg7: memref<1x128xf32, #tpu.memory_space<vmem>>, %arg8: memref<32x128xf32, #tpu.memory_space<vmem>>, %arg9: memref<32x64xf32, #tpu.memory_space<vmem>>) attributes {dimension_semantics = [#tpu.dimension_semantics<arbitrary>], iteration_bounds = array<i64: 256>, scalar_prefetch = 0 : i64, scratch_operands = 0 : i64, tpu.core_type = #tpu.core_type<tc>, window_params = [{transform_indices = @transform_0, window_bounds = array<i64: 2048, 128>}, {transform_indices = @transform_1, window_bounds = array<i64: 131072>}, {pipeline_mode = #tpu.pipeline_mode<synchronous>, transform_indices = @transform_2, window_bounds = array<i64: 128, 128>}, {pipeline_mode = #tpu.pipeline_mode<synchronous>, transform_indices = @transform_3, window_bounds = array<i64: 1, 128>}, {pipeline_mode = #tpu.pipeline_mode<synchronous>, transform_indices = @transform_4, window_bounds = array<i64: 128, 128>}, {pipeline_mode = #tpu.pipeline_mode<synchronous>, transform_indices = @transform_5, window_bounds = array<i64: 1, 128>}, {pipeline_mode = #tpu.pipeline_mode<synchronous>, transform_indices = @transform_6, window_bounds = array<i64: 1, 128>}, {transform_indices = @transform_7, window_bounds = array<i64: 32, 128>}, {transform_indices = @transform_8, window_bounds = array<i64: 32, 64>}]} {
    %get3A = arith.constant 0 : index
    %get3A_0 = arith.constant 0 : index
    %get3A_1 = vector.load %arg1[%get3A, %get3A_0] : memref<2048x128xf32, #tpu.memory_space<vmem>>, vector<2048x128xf32>
    %convert_element_type3A = arith.truncf %get3A_1 : vector<2048x128xf32> to vector<2048x128xbf16>
    %get3A_2 = arith.constant 0 : index
    %get3A_3 = arith.constant 0 : index
    %get3A_4 = vector.load %arg3[%get3A_2, %get3A_3] : memref<128x128xbf16, #tpu.memory_space<vmem>>, vector<128x128xbf16>
    %dot_general3A = arith.constant dense<0.000000e+00> : vector<2048x128xf32>
    %dot_general3A_5 = tpu.matmul %convert_element_type3A, %get3A_4, %dot_general3A {dimension_numbers = #tpu.dot_dimension_numbers<[1], [0], [0], [1], [0, 0, 1, 1], [], []>, transpose_lhs_hint = false} : vector<2048x128xbf16>, vector<128x128xbf16>, vector<2048x128xf32> -> vector<2048x128xf32>
    %get3A_6 = arith.constant 0 : index
    %get3A_7 = arith.constant 0 : index
    %get3A_8 = vector.load %arg4[%get3A_6, %get3A_7] : memref<1x128xf32, #tpu.memory_space<vmem>>, vector<1x128xf32>
    %add3A = vector.broadcast %get3A_8 : vector<1x128xf32> to vector<2048x128xf32>
    %add3A_9 = arith.addf %dot_general3A_5, %add3A : vector<2048x128xf32>
    %tanh3A = math.tanh %add3A_9 : vector<2048x128xf32>
    %convert_element_type3A_10 = arith.truncf %tanh3A : vector<2048x128xf32> to vector<2048x128xbf16>
    %get3A_11 = arith.constant 0 : index
    %get3A_12 = arith.constant 0 : index
    %get3A_13 = vector.load %arg5[%get3A_11, %get3A_12] : memref<128x128xbf16, #tpu.memory_space<vmem>>, vector<128x128xbf16>
    %dot_general3A_14 = arith.constant dense<0.000000e+00> : vector<2048x128xf32>
    %dot_general3A_15 = tpu.matmul %convert_element_type3A_10, %get3A_13, %dot_general3A_14 {dimension_numbers = #tpu.dot_dimension_numbers<[1], [0], [0], [1], [0, 0, 1, 1], [], []>, transpose_lhs_hint = false} : vector<2048x128xbf16>, vector<128x128xbf16>, vector<2048x128xf32> -> vector<2048x128xf32>
    %get3A_16 = arith.constant 0 : index
    %get3A_17 = arith.constant 0 : index
    %get3A_18 = vector.load %arg6[%get3A_16, %get3A_17] : memref<1x128xf32, #tpu.memory_space<vmem>>, vector<1x128xf32>
    %add3A_19 = vector.broadcast %get3A_18 : vector<1x128xf32> to vector<2048x128xf32>
    %add3A_20 = arith.addf %dot_general3A_15, %add3A_19 : vector<2048x128xf32>
    %get3A_21 = arith.constant 0 : index
    %get3A_22 = vector.load %arg2[%get3A_21] : memref<131072xi32, #tpu.memory_space<vmem>>, vector<131072xi32>
    %reshape3A = vector.shape_cast %get3A_22 : vector<131072xi32> to vector<1024x128xi32>
    %slice3A = vector.extract_strided_slice %reshape3A {offsets = [0, 0], sizes = [1024, 64], strides = [1, 1]} : vector<1024x128xi32> to vector<1024x64xi32>
    %slice3A_23 = vector.extract_strided_slice %reshape3A {offsets = [0, 64], sizes = [1024, 64], strides = [1, 1]} : vector<1024x128xi32> to vector<1024x64xi32>
    %shift_left3A = arith.constant 16 : i32
    %shift_left3A_24 = vector.broadcast %shift_left3A : i32 to vector<1024x64xi32>
    %shift_left3A_25 = arith.shli %slice3A, %shift_left3A_24 : vector<1024x64xi32>
    %bitcast_convert_type3A = tpu.bitcast %shift_left3A_25 : vector<1024x64xi32> -> vector<1024x64xf32>
    %and3A = arith.constant -65536 : i32
    %and3A_26 = vector.broadcast %and3A : i32 to vector<1024x64xi32>
    %and3A_27 = arith.andi %slice3A, %and3A_26 : vector<1024x64xi32>
    %bitcast_convert_type3A_28 = tpu.bitcast %and3A_27 : vector<1024x64xi32> -> vector<1024x64xf32>
    %concatenate3A = tpu.concatenate %bitcast_convert_type3A, %bitcast_convert_type3A_28 in 1 : vector<1024x64xf32>, vector<1024x64xf32> -> vector<1024x128xf32>
    %shift_left3A_29 = arith.constant 16 : i32
    %shift_left3A_30 = vector.broadcast %shift_left3A_29 : i32 to vector<1024x64xi32>
    %shift_left3A_31 = arith.shli %slice3A_23, %shift_left3A_30 : vector<1024x64xi32>
    %bitcast_convert_type3A_32 = tpu.bitcast %shift_left3A_31 : vector<1024x64xi32> -> vector<1024x64xf32>
    %and3A_33 = arith.constant -65536 : i32
    %and3A_34 = vector.broadcast %and3A_33 : i32 to vector<1024x64xi32>
    %and3A_35 = arith.andi %slice3A_23, %and3A_34 : vector<1024x64xi32>
    %bitcast_convert_type3A_36 = tpu.bitcast %and3A_35 : vector<1024x64xi32> -> vector<1024x64xf32>
    %concatenate3A_37 = tpu.concatenate %bitcast_convert_type3A_32, %bitcast_convert_type3A_36 in 1 : vector<1024x64xf32>, vector<1024x64xf32> -> vector<1024x128xf32>
    %concatenate3A_38 = tpu.concatenate %concatenate3A, %concatenate3A_37 in 0 : vector<1024x128xf32>, vector<1024x128xf32> -> vector<2048x128xf32>
    %mul3A = arith.mulf %add3A_20, %concatenate3A_38 : vector<2048x128xf32>
    %reshape3A_39 = vector.shape_cast %mul3A : vector<2048x128xf32> to vector<32x64x128xf32>
    %get3A_40 = arith.constant 0 : index
    %get3A_41 = arith.constant 0 : index
    %get3A_42 = vector.load %arg7[%get3A_40, %get3A_41] : memref<1x128xf32, #tpu.memory_space<vmem>>, vector<1x128xf32>
    %reshape3A_43 = vector.shape_cast %get3A_42 : vector<1x128xf32> to vector<1x1x128xf32>
    %mul3A_44 = vector.broadcast %reshape3A_43 : vector<1x1x128xf32> to vector<32x64x128xf32>
    %mul3A_45 = arith.mulf %reshape3A_39, %mul3A_44 : vector<32x64x128xf32>
    %reduce_sum3A = arith.constant dense<0.000000e+00> : vector<32x64xf32>
    %reduce_sum3A_46 = vector.multi_reduction <add>, %mul3A_45, %reduce_sum3A [2] : vector<32x64x128xf32> to vector<32x64xf32>
    %exp3A = math.exp %reduce_sum3A_46 : vector<32x64xf32>
    %reduce_sum3A_47 = arith.constant dense<0.000000e+00> : vector<32xf32>
    %reduce_sum3A_48 = vector.multi_reduction <add>, %exp3A, %reduce_sum3A_47 [1] : vector<32x64xf32> to vector<32xf32>
    %broadcast_in_dim3A = vector.shape_cast %reduce_sum3A_48 : vector<32xf32> to vector<32x1xf32>
    %div3A = vector.broadcast %broadcast_in_dim3A : vector<32x1xf32> to vector<32x64xf32>
    %div3A_49 = arith.divf %exp3A, %div3A : vector<32x64xf32>
    %broadcast_in_dim3A_50 = vector.shape_cast %div3A_49 : vector<32x64xf32> to vector<32x64x1xf32>
    %mul3A_51 = vector.broadcast %broadcast_in_dim3A_50 : vector<32x64x1xf32> to vector<32x64x128xf32>
    %mul3A_52 = arith.mulf %reshape3A_39, %mul3A_51 : vector<32x64x128xf32>
    %reduce_sum3A_53 = arith.constant dense<0.000000e+00> : vector<32x128xf32>
    %reduce_sum3A_54 = vector.multi_reduction <add>, %mul3A_52, %reduce_sum3A_53 [1] : vector<32x64x128xf32> to vector<32x128xf32>
    %swap3A = arith.constant 0 : index
    %swap3A_55 = arith.constant 0 : index
    %swap3A_56 = vector.load %arg8[%swap3A, %swap3A_55] : memref<32x128xf32, #tpu.memory_space<vmem>>, vector<32x128xf32>
    tpu.vector_store %arg8[%swap3A, %swap3A_55], %reduce_sum3A_54 {strides = array<i32>} : memref<32x128xf32, #tpu.memory_space<vmem>>, vector<32x128xf32>,
    %swap3A_57 = arith.constant 0 : index
    %swap3A_58 = arith.constant 0 : index
    %swap3A_59 = vector.load %arg9[%swap3A_57, %swap3A_58] : memref<32x64xf32, #tpu.memory_space<vmem>>, vector<32x64xf32>
    tpu.vector_store %arg9[%swap3A_57, %swap3A_58], %div3A_49 {strides = array<i32>} : memref<32x64xf32, #tpu.memory_space<vmem>>, vector<32x64xf32>,
    return
  }
  func.func @transform_0(%arg0: i32) -> (i32, i32) {
    %c0_i32 = arith.constant 0 : i32
    %c0_i32_0 = arith.constant 0 : i32
    return %arg0, %c0_i32 : i32, i32
  }
  func.func @transform_1(%arg0: i32) -> i32 {
    %c0_i32 = arith.constant 0 : i32
    return %arg0 : i32
  }
  func.func @transform_2(%arg0: i32) -> (i32, i32) {
    %c0_i32 = arith.constant 0 : i32
    %c0_i32_0 = arith.constant 0 : i32
    %c0_i32_1 = arith.constant 0 : i32
    return %c0_i32, %c0_i32_0 : i32, i32
  }
  func.func @transform_3(%arg0: i32) -> (i32, i32) {
    %c0_i32 = arith.constant 0 : i32
    %c0_i32_0 = arith.constant 0 : i32
    %c0_i32_1 = arith.constant 0 : i32
    return %c0_i32, %c0_i32_0 : i32, i32
  }
  func.func @transform_4(%arg0: i32) -> (i32, i32) {
    %c0_i32 = arith.constant 0 : i32
    %c0_i32_0 = arith.constant 0 : i32
    %c0_i32_1 = arith.constant 0 : i32
    return %c0_i32, %c0_i32_0 : i32, i32
  }
  func.func @transform_5(%arg0: i32) -> (i32, i32) {
    %c0_i32 = arith.constant 0 : i32
    %c0_i32_0 = arith.constant 0 : i32
    %c0_i32_1 = arith.constant 0 : i32
    return %c0_i32, %c0_i32_0 : i32, i32
  }
  func.func @transform_6(%arg0: i32) -> (i32, i32) {
    %c0_i32 = arith.constant 0 : i32
    %c0_i32_0 = arith.constant 0 : i32
    %c0_i32_1 = arith.constant 0 : i32
    return %c0_i32, %c0_i32_0 : i32, i32
  }
  func.func @transform_7(%arg0: i32) -> (i32, i32) {
    %c0_i32 = arith.constant 0 : i32
    %c0_i32_0 = arith.constant 0 : i32
    return %arg0, %c0_i32 : i32, i32
  }
  func.func @transform_8(%arg0: i32) -> (i32, i32) {
    %c0_i32 = arith.constant 0 : i32
    %c0_i32_0 = arith.constant 0 : i32
    return %arg0, %c0_i32 : i32, i32
  }
}

</mosaic_0001>

<sc_bundles>
// kernel: kernel.4.cloned.1.call-start
scs
__scs_entry_jumppad:
0x0: {  	(pc) =	sbr.rel $0x88, $3  }
0x1: {  	(tag) =	ssettag $0x0;
	lr =	simm.s32 $0x1  }
0x2: {  	[smem:$0x3F99] =	sst lr;
	_ =	strace $0xD0000000  }
0x3: {  	_ = 	snop  }
0x4: {  	_ = 	snop  }
0x5: {  	_ = 	snop  }
0x6: {  	_ = 	snop  }
0x7: {  	_ = 	snop  }
__scs_overlays_trampoline_lowered:
0x8: {  	[smem:$0x3FA8] =	sst s0  }
0x9: {  	[smem:$0x3FA9] =	sst s1  }
0xa: {  	[smem:$0x3FAA] =	sst s2  }
0xb: {  	[smem:$0x3FAB] =	sst s3  }
0xc: {  	[smem:$0x3FAC] =	sst s4  }
0xd: {  	[smem:$0x3FAD] =	sst s5  }
0xe: {  	[smem:$0x3FAE] =	sst s6  }
0xf: {  	[smem:$0x3FAF] =	sst s7  }
0x10: {  	[smem:$0x3FB0] =	sst s8  }
0x11: {  	[smem:$0x3FB1] =	sst s9;
	s0 =	simm.s32 @!p0 $0x0  }
0x12: {  	s1 =	sld [smem:$0x3F97];
	s0 =	simm.s32 @p0 $0x1  }
0x13: {  	[smem:$0x3FB2] =	sst s0;
	s0 =	simm.s32 @!p1 $0x0  }
0x14: {  	s2 =	sld [smem:$0x3F96];
	s0 =	simm.s32 @p1 $0x1  }
0x15: {  	[smem:$0x3FB3] =	sst s0;
	s0 =	simm.s32 @!p2 $0x0  }
0x16: {  	s3 =	sld [smem:$0x3FDB];
	s0 =	simm.s32 @p2 $0x1  }
0x17: {  	s4 =	simm.s32 $0x1BF5;
	[smem:$0x3FB5] =	sst s0  }
0x18: {  	s0 =	sld [smem:$0x3F98];
	_ =	swait.ge [sflag:s4], $0x0  }
0x19: {  	s7 =	sld [smem:$0x3F99]  }
0x1a: {  	s8 =	sadd.s32 $0xFFFFE003, lr  }
0x1b: {  	s9 =	sadd.s32 $0xFFFFFEF7, lr;
	s5 =	simm.s32 $0xFFFFFFFF;
	p2 =	slt.u32 s8, $0xFFFFF086  }
0x1c: {  	p1 =	slt.u32 s9, $0xF7A;
	s5 =	simm.s32 @!p2 $0x0  }
0x1d: {  	s5 =	simm.s32 @p1 $0x1;
	p0 =	seq.s32 s7, s2  }
0x1e: {  	s7 =	smul.u32 @!p0 $0xF7A, s2;
	p2 =	seq.s32 @!p0 s5, $0x0  }
0x1f: {  	s9 =	smul.u32 $0xF7A, s1;
	s8 =	simm.s32 @!p0 $0x1BF5;
	p2 =	por !p2, p0  }
0x20: {  	[sflag:s8] =	ssyncset.s32 @!p0 $0xFFFFF086;
	s6 =	sadd.s32 @!p0 s3, s7;
	s7 =	simm.s32 @!p0 $0x108  }
0x21: {  	s3 =	sadd.s32 s3, s9;
	s6 =	sadd.s32 @!p0 $0x88, s6;
	s7 =	simm.s32 @p2 $0x1082  }
0x22: {  	[simem:s7], [sflag:s8] =	dma.local @!p0 [hbm:s6], $0xF7A  }
0x23: {  	s9 =	sor.u32 $0xD0000000, s2;
	s6 =	simm.s32 $0x108;
	_ =	swait.ge @!p0 [sflag:s8], $0x0  }
0x24: {  	s3 =	sadd.s32 $0x88, s3;
	s6 =	simm.s32 @!p1 $0x1082;
	[sflag:s4] =	ssyncset.s32 $0xFFFFF086  }
0x25: {  	[simem:s6], [sflag:s4] =	dma.local [hbm:s3], $0xF7A  }
0x26: {  	[smem:$0x3F99] =	sst s1;
	(tag) =	ssettag s2;
	_ =	strace s9  }
0x27: {  	s1 =	sld [smem:$0x3FA9]  }
0x28: {  	s2 =	sld [smem:$0x3FAA]  }
0x29: {  	s4 =	sld [smem:$0x3FAC]  }
0x2a: {  	p0 =	seq.s32 s5, $0x0;
	s5 =	sld [smem:$0x3FAD]  }
0x2b: {  	s6 =	sld [smem:$0x3FAE]  }
0x2c: {  	s7 =	sld [smem:$0x3FAF]  }
0x2d: {  	s3 =	simm.s32 $0x108;
	s8 =	sld [smem:$0x3FB0]  }
0x2e: {  	s3 =	simm.s32 @!p0 $0x1082;
	s9 =	sld [smem:$0x3FB1]  }
0x2f: {  	lr =	sadd.s32 s0, s3;
	s0 =	sld [smem:$0x3FA8]  }
0x30: {  	s3 =	sld [smem:$0x3FAB]  }
0x31: {  	[smem:$0x3FB4] =	sst s10  }
0x32: {  	s10 =	sld [smem:$0x3FB2];
	_ =	sdelay $0x3  }
0x33: {  	p0 =	seq.s32 s10, $0x1;
	s10 =	sld [smem:$0x3FB4];
	_ =	sdelay $0x3  }
0x34: {  	[smem:$0x3FB4] =	sst s10  }
0x35: {  	s10 =	sld [smem:$0x3FB3];
	_ =	sdelay $0x3  }
0x36: {  	p1 =	seq.s32 s10, $0x1;
	s10 =	sld [smem:$0x3FB4];
	_ =	sdelay $0x3  }
0x37: {  	[smem:$0x3FB4] =	sst s10  }
0x38: {  	s10 =	sld [smem:$0x3FB5]  }
0x39: {  	_ = 	snop;
	(pc) =	sbr.ind lr, $3  }
0x3a: {  	_ = 	snop  }
0x3b: {  	_ = 	snop  }
0x3c: {  	p2 =	seq.s32 s10, $0x1;
	s10 =	sld [smem:$0x3FB4]  }
0x3d: {  	_ =	shalt  }
0x3e: {  	_ =	shalt  }
0x3f: {  	_ =	shalt  }
0x40: {  	_ =	shalt  }
0x41: {  	_ =	shalt  }
0x42: {  	_ =	shalt  }
0x43: {  	_ =	shalt  }
0x44: {  	_ =	shalt  }
0x45: {  	_ =	shalt  }
0x46: {  	_ =	shalt  }
0x47: {  	_ =	shalt  }
0x48: {  	_ =	shalt  }
0x49: {  	_ =	shalt  }
0x4a: {  	_ =	shalt  }
0x4b: {  	_ =	shalt  }
0x4c: {  	_ =	shalt  }
0x4d: {  	_ =	shalt  }
0x4e: {  	_ =	shalt  }
0x4f: {  	_ =	shalt  }
0x50: {  	_ =	shalt  }
0x51: {  	_ =	shalt  }
0x52: {  	_ =	shalt  }
0x53: {  	_ =	shalt  }
0x54: {  	_ =	shalt  }
0x55: {  	_ =	shalt  }
0x56: {  	_ =	shalt  }
0x57: {  	_ =	shalt  }
0x58: {  	_ =	shalt  }
0x59: {  	_ =	shalt  }
0x5a: {  	_ =	shalt  }
0x5b: {  	_ =	shalt  }
0x5c: {  	_ =	shalt  }
0x5d: {  	_ =	shalt  }
0x5e: {  	_ =	shalt  }
0x5f: {  	_ =	shalt  }
0x60: {  	_ =	shalt  }
0x61: {  	_ =	shalt  }
0x62: {  	_ =	shalt  }
0x63: {  	_ =	shalt  }
0x64: {  	_ =	shalt  }
0x65: {  	_ =	shalt  }
0x66: {  	_ =	shalt  }
0x67: {  	_ =	shalt  }
0x68: {  	_ =	shalt  }
0x69: {  	_ =	shalt  }
0x6a: {  	_ =	shalt  }
0x6b: {  	_ =	shalt  }
0x6c: {  	_ =	shalt  }
0x6d: {  	_ =	shalt  }
0x6e: {  	_ =	shalt  }
0x6f: {  	_ =	shalt  }
0x70: {  	_ =	shalt  }
0x71: {  	_ =	shalt  }
0x72: {  	_ =	shalt  }
0x73: {  	_ =	shalt  }
0x74: {  	_ =	shalt  }
0x75: {  	_ =	shalt  }
0x76: {  	_ =	shalt  }
0x77: {  	_ =	shalt  }
0x78: {  	_ =	shalt  }
0x79: {  	_ =	shalt  }
0x7a: {  	_ =	shalt  }
0x7b: {  	_ =	shalt  }
0x7c: {  	_ =	shalt  }
0x7d: {  	_ =	shalt  }
0x7e: {  	_ =	shalt  }
0x7f: {  	_ =	shalt  }
0x80: {  	_ =	shalt  }
0x81: {  	_ =	shalt  }
0x82: {  	_ =	shalt  }
0x83: {  	_ =	shalt  }
0x84: {  	_ =	shalt  }
0x85: {  	_ =	shalt  }
0x86: {  	_ =	shalt  }
0x87: {  	_ =	shalt  }
.Lfunc_end0:
.L_simem_size_0:
called_computation_lowered:
.L_overlay_start_0:
0x88: {  	s2 =	sld [smem:$0x3FD9]  }
0x89: {  	s3 =	sld [smem:$0x3FFE];
	_ =	sdelay $0x1  }
0x8a: {  	s1 =	srdreg.scid  }
0x8b: {  	s0 =	sand.u32 $0x1, s1  }
0x8c: {  	s14 =	sshll.u32 s0, $0xA;
	s2 =	sadd.s32 s3, s2  }
0x8d: {  	s2 =	sadd.s32 s2, s14  }
0x8e: {  	[smem:$0x3FC0] =	sst s2  }
0x8f: {  	_ = 	snop  }
0x90: {  	s2 =	sld [smem:$0x3FD0];
	_ =	sdelay $0x2  }
0x91: {  	s15 =	simm.s32 $0xA;
	s4 =	simm.s32 $0x10  }
0x92: {  	[smem:s4], [sflag:s15] =	dma.local [hbm:s2], $0x1  }
0x93: {  	_ =	swait.eq [sflag:s15], $0x1  }
0x94: {  	[sflag:s15] =	ssyncset.done $0x0  }
0x95: {  	s16 =	sld [smem:$0x10];
	[sflag:s15] =	ssyncadd.s32 $0xFFFFFFFF  }
0x96: {  	s17 =	sld [smem:$0x11];
	(tm) =	ssettm $0x1  }
0x97: {  	s18 =	sld [smem:$0x3FFB];
	_ =	sdelay $0x3  }
0x98: {  	_ =	strace s18  }
0x99: {  	s4 =	sld [smem:$0x3FFC];
	_ =	sdelay $0x3  }
0x9a: {  	_ =	strace s4  }
0x9b: {  	s4 =	sld [smem:$0x3FFD];
	_ =	sdelay $0x3  }
0x9c: {  	_ =	strace s4  }
0x9d: {  	_ =	strace $0x8FFFFFFF  }
0x9e: {  	s19 =	sld [smem:$0x3FDB];
	_ =	sdelay $0x1  }
0x9f: {  	s5 =	simm.s32 $_scs_section_size  }
0xa0: {  	s6 =	simm.s32 $_size__tile_overlayer_lowered;
	s7 =	simm.s32 $_tile_overlayer_lowered  }
0xa1: {  	s22 =	simm.s32 $0x1BFF;
	s21 =	sshll.u32 s7, $0x1;
	s4 =	sadd.s32 s5, s19  }
0xa2: {  	s8 =	simm.s32 $0x0;
	s20 =	sshll.u32 s6, $0x1;
	s6 =	sadd.s32 s21, s4  }
0xa3: {  	[timem:s8], [sflag:s22] =	dma.local [hbm:s6], s20  }
0xa4: {  	_ =	swait.ge [sflag:s22], s20  }
0xa5: {  	s5 =	ssub.s32 $0x0, s20;
	[sflag:s22] =	ssyncset.done $0x0  }
0xa6: {  	[sflag:s22] =	ssyncadd.s32 s5;
	_ =	sdelay $0x1  }
0xa7: {  	s23 =	simm.s32 $0x1B8B  }
0xa8: {  	_ =	swait.ge [sflag:s23], $0x1  }
0xa9: {  	[sflag:s23] =	ssyncset.done $0x0  }
0xaa: {  	s25 =	simm.s32 $0x1B8E;
	s24 =	sld [smem:$0x3FFE];
	[sflag:s23] =	ssyncadd.s32 $0xFFFFFFFF  }
0xab: {  	s26 =	simm.s32 $execute0_lowered;
	[smem:$0x3FD2] =	sst s25  }
0xac: {  	s6 =	sshll.u32 s26, $0x1;
	_ =	strace $0x80000046;
	[dreg:$0x1] =	wrdreg $0xFFFFFFFF  }
0xad: {  	s28 =	simm.s32 $_size_execute0_lowered;
	s4 =	sadd.s32 s4, s6;
	[dreg:$0x0] =	wrdreg $0x0  }
0xae: {  	s6 =	sshll.u32 s28, $0x1;
	[dreg:$0x2] =	wrdreg s4  }
0xaf: {  	[dreg:$0x3] =	wrdreg s6  }
0xb0: {  	[dreg:$0x4] =	wrdreg $0xC0  }
0xb1: {  	_ =	task [dreg:s8], $0x5FFFF  }
0xb2: {  	[dreg:$0x1] =	wrdreg $0xFFFFFFFF  }
0xb3: {  	[dreg:$0x0] =	wrdreg $0x60  }
0xb4: {  	[dreg:$0x2] =	wrdreg s17  }
0xb5: {  	[dreg:$0x3] =	wrdreg s16  }
0xb6: {  	[dreg:$0x4] =	wrdreg s24  }
0xb7: {  	[dreg:$0x5] =	wrdreg $0x0  }
0xb8: {  	[dreg:$0x6] =	wrdreg $0x9  }
0xb9: {  	_ =	task.clear_ibuf [dreg:s8], $0x7FFFF;
	_ =	strace $0x90000046  }
0xba: {  	s29 =	simm.s32 $0x9;
	_ =	strace $0x80000048  }
0xbb: {  	_ =	swait.ge [sflag:s29], $0x1  }
0xbc: {  	[sflag:s29] =	ssyncadd.s32 $0xFFFFFFFF  }
0xbd: {  	_ =	strace $0x90000048  }
0xbe: {  	_ =	sfence  }
0xbf: {  	s30 =	sld [smem:$0x0];
	_ =	sdelay $0x2  }
0xc0: {  	s31 =	sshll.u32 s1, $0xD;
	s1 =	sshrl.u32 s1, $0x2  }
0xc1: {  	s3 =	sand.u32 $0x4000, s31;
	s1 =	sadd.s32 s1, s30  }
0xc2: {  	s0 =	sor.u32 s3, s0;
	s1 =	sshll.u32 s1, $0x11  }
0xc3: {  	s0 =	sor.u32 s1, s0  }
0xc4: {  	s0 =	sadd.s32 $0x8F2B, s0  }
0xc5: {  	[sflag:s0] =	ssyncadd.remote.s32 $0x1  }
0xc6: {  	_ =	sfence.sel $0xFFFF  }
0xc7: {  	[dreg:$0x0] =	wrdreg $0xFFFFFFFF;
	(pc) =	sbr.abs _section_cstart, $3  }
0xc8: {  	[dreg:$0x1] =	wrdreg $0xFFFFFFFF  }
0xc9: {  	_ =	task.clear_ibuf [dreg:s8], $0x2FFFF;
	_ =	strace $0x9FFFFFFF  }
0xca: {  	(tm) =	ssettm $0x7FFFFFFF  }
0xcb: {  	_ =	shalt  }
tec
execute0_lowered:
.L_overlay_start_1:
0x0: {  	(tag) =	ssettag $0x1  }
0x1: {  	s0 =	rddreg [dreg:$0x1]  }
0x2: {  	s1 =	rddreg [dreg:$0x2];
	s4 =	srdreg.scid  }
0x3: {  	s2 =	rddreg [dreg:$0x3];
	s5 =	stileid.u32;
	s4 =	sand.u32 $0x1, s4  }
0x4: {  	s3 =	simm.s32 $0x0;
	s6 =	sshll.u32 s5, $0xF;
	s7 =	sshll.u32 s4, $0xE  }
0x5: {  	[smem:$0x7FF] =	sst s3;
	s1 =	sadd.s32 $0x1200, s1;
	s6 =	sor.u32 s7, s6  }
0x6: {  	_ =	strace $0x80000047;
	s8 =	ssub.s32 $0x2, s4;
	s9 =	sshrl.u32 s6, $0x3  }
0x7: {  	s26 =	sshrl.u32 s8, $0x1;
	s6 =	sshll.u32 s6, $0x3;
	s0 =	sadd.s32 s0, s9  }
0x8: {  	s7 =	ssub.s32 s8, s26;
	s6 =	sadd.s32 s1, s6;
	[dreg:$0x5] =	wrdreg s0  }
0x9: {  	s26 =	smax.u32 s7, $0x1;
	[dreg:$0x6] =	wrdreg s6  }
0xa: {  	s28 =	simm.s32 $0xC000;
	s10 =	sadd.s32 $0x400, s6;
	[dreg:$0x16] =	wrdreg s26  }
0xb: {  	s30 =	simm.s32 $0xE000;
	s11 =	sadd.s32 $0x800, s6;
	[dreg:$0x7] =	wrdreg s10  }
0xc: {  	s31 =	simm.s32 $0x12000;
	s12 =	sadd.s32 $0xC00, s6;
	[dreg:$0x8] =	wrdreg s11  }
0xd: {  	s29 =	simm.s32 $0x2;
	s13 =	sadd.s32 $0x1000, s6;
	[dreg:$0x9] =	wrdreg s12  }
0xe: {  	s24 =	sshll.u32 s5, $0x12;
	s14 =	sadd.s32 $0x1400, s6;
	[dreg:$0xa] =	wrdreg s13  }
0xf: {  	p0 =	sne.s32 s5, $0x0;
	s15 =	sadd.s32 $0x1800, s6;
	[dreg:$0xb] =	wrdreg s14  }
0x10: {  	s25 =	sshll.u32 s4, $0x11;
	s16 =	sadd.s32 $0x1C00, s6;
	[dreg:$0xc] =	wrdreg s15  }
0x11: {  	s4 =	simm.s32 $0x14000;
	s17 =	sadd.s32 $0x1E000, s6;
	[dreg:$0xd] =	wrdreg s16  }
0x12: {  	s8 =	simm.s32 $0x4;
	s18 =	sadd.s32 $0x1E400, s6;
	[dreg:$0xe] =	wrdreg s17  }
0x13: {  	s7 =	simm.s32 $0x16000;
	s19 =	sadd.s32 $0x1E800, s6;
	[dreg:$0xf] =	wrdreg s18  }
0x14: {  	s9 =	simm.s32 $0x18000;
	s20 =	sadd.s32 $0x1EC00, s6;
	[dreg:$0x10] =	wrdreg s19  }
0x15: {  	s21 =	sadd.s32 $0x1F000, s6;
	s22 =	sadd.s32 $0x1F400, s6;
	[dreg:$0x11] =	wrdreg s20  }
0x16: {  	s23 =	sadd.s32 $0x1F800, s6;
	s6 =	sadd.s32 $0x1FC00, s6;
	[dreg:$0x12] =	wrdreg s21  }
0x17: {  	s0 =	sadd.s32 s24, s1;
	s26 =	simm.s32 $0x80;
	[dreg:$0x13] =	wrdreg s22  }
0x18: {  	s1 =	simm.s32 $0x1;
	s24 =	simm.s32 $0xF;
	[dreg:$0x14] =	wrdreg s23  }
0x19: {  	[dreg:$0x15] =	wrdreg s6;
	s0 =	sadd.s32 s25, s0;
	s6 =	simm.s32 $0x3  }
0x1a: {  	s10 =	simm.s32 $0x5;
	s11 =	simm.s32 $0x1A000;
	s12 =	simm.s32 $0x6  }
0x1b: {  	s13 =	simm.s32 $0x9;
	s14 =	simm.s32 $0x7;
	s15 =	simm.s32 $0xA  }
0x1c: {  	s16 =	simm.s32 $0x8;
	s17 =	simm.s32 $0xB;
	s18 =	simm.s32 $0xC  }
0x1d: {  	s19 =	simm.s32 $0xD;
	s20 =	simm.s32 $0xE;
	s0 =	sadd.s32 $0x2000, s0  }
0x1e: {  	s21 =	simm.s32 $0x10;
	[dreg:$0x17] =	wrdreg s0;
	s0 =	sshrl.u32 @!p0 s2, $0x3  }
0x1f: {  	s22 =	simm.s32 $0x0;
	[dreg:$0x18] =	wrdreg s0;
	s0 =	simm.s32 $0x10000  }
.LBB2_1:
0x20: {  	[dreg:$0x19] =	wrdreg s22  }
0x21: {  	s22 =	rddreg [dreg:$0x0]  }
0x22: {  	s5 =	simm.s32 @!p0 $0x1C11;
	s23 =	rddreg [dreg:$0x18]  }
0x23: {  	[spmem:s23], [sflag:s5] =	dma.local @!p0 [hbm:s22], $0x10000  }
0x24: {  	s5 =	simm.s32 @!p0 $0x11  }
0x25: {  	_ =	swait.ge @!p0 [sflag:s5], $0x10000  }
0x26: {  	[sflag:s5] =	ssyncset.done @!p0 $0x0  }
0x27: {  	s25 =	simm.s32 $0x8000;
	s23 =	rddreg [dreg:$0x5];
	[sflag:s5] =	ssyncadd.s32 @!p0 $0xFFFF0000  }
0x28: {  	[tilespmem:s25], [sflag:$0x11] =	stream.linear.gather [hbm4b:s23+s3], $0x4000, $0x38;
	[tilespmem:$0x1C000] =	vst v63  }
0x29: {  	s23 =	simm.s32 $0x11  }
0x2a: {  	_ =	swait.ge [sflag:s23], $0x4000  }
0x2b: {  	[sflag:s23] =	ssyncset.done $0x0  }
0x2c: {  	[sflag:s23] =	ssyncadd.s32 $0xFFFFC000  }
0x2d: {  	[bflag:$0x0] =	sbarrier.arrive $0xFFFF  }
0x2e: {  	[tilespmem:s28], [sflag:$0x1] =	stream.indirect.gather [spmem:s2], $0x40, s25, s26, $0xb8;
	[tilespmem:$0x1C000] =	vst v63  }
0x2f: {  	s25 =	simm.s32 $0x8080  }
0x30: {  	[tilespmem:s30], [sflag:$0x2] =	stream.indirect.gather [spmem:s2], $0x40, s25, s26, $0xb8;
	[tilespmem:$0x1C000] =	vst v63  }
0x31: {  	s22 =	simm.s32 $0x8100  }
0x32: {  	[tilespmem:s0], [sflag:$0x3] =	stream.indirect.gather [spmem:s2], $0x40, s22, s26, $0xb8;
	[tilespmem:$0x1C000] =	vst v63  }
0x33: {  	_ =	swait.ge [sflag:s1], $0x2000  }
0x34: {  	[sflag:s1] =	ssyncset.done $0x0  }
0x35: {  	s23 =	rddreg [dreg:$0x6];
	[sflag:s1] =	ssyncadd.s32 $0xFFFFE000  }
0x36: {  	[hbm4b:s23+s3] =	stream.linear.scatter [tilespmem:s28], [sflag:$0x9], $0x2000, $0x38;
	[tilespmem:$0x1C000] =	vst v63  }
0x37: {  	s25 =	simm.s32 $0x8180  }
0x38: {  	[tilespmem:s31], [sflag:$0x4] =	stream.indirect.gather [spmem:s2], $0x40, s25, s26, $0xb8;
	[tilespmem:$0x1C000] =	vst v63  }
0x39: {  	_ =	swait.ge [sflag:s29], $0x2000  }
0x3a: {  	[sflag:s29] =	ssyncset.done $0x0  }
0x3b: {  	s22 =	rddreg [dreg:$0x7];
	[sflag:s29] =	ssyncadd.s32 $0xFFFFE000  }
0x3c: {  	[hbm4b:s22+s3] =	stream.linear.scatter [tilespmem:s30], [sflag:$0xA], $0x2000, $0x38;
	[tilespmem:$0x1C000] =	vst v63  }
0x3d: {  	s23 =	simm.s32 $0x8200  }
0x3e: {  	[tilespmem:s4], [sflag:$0x5] =	stream.indirect.gather [spmem:s2], $0x40, s23, s26, $0xb8;
	[tilespmem:$0x1C000] =	vst v63  }
0x3f: {  	_ =	swait.ge [sflag:s6], $0x2000  }
0x40: {  	[sflag:s6] =	ssyncset.done $0x0  }
0x41: {  	s25 =	rddreg [dreg:$0x8];
	[sflag:s6] =	ssyncadd.s32 $0xFFFFE000  }
0x42: {  	[hbm4b:s25+s3] =	stream.linear.scatter [tilespmem:s0], [sflag:$0xB], $0x2000, $0x38;
	[tilespmem:$0x1C000] =	vst v63  }
0x43: {  	s22 =	simm.s32 $0x8280  }
0x44: {  	[tilespmem:s7], [sflag:$0x6] =	stream.indirect.gather [spmem:s2], $0x40, s22, s26, $0xb8;
	[tilespmem:$0x1C000] =	vst v63  }
0x45: {  	_ =	swait.ge [sflag:s8], $0x2000  }
0x46: {  	[sflag:s8] =	ssyncset.done $0x0  }
0x47: {  	s23 =	rddreg [dreg:$0x9];
	[sflag:s8] =	ssyncadd.s32 $0xFFFFE000  }
0x48: {  	[hbm4b:s23+s3] =	stream.linear.scatter [tilespmem:s31], [sflag:$0xC], $0x2000, $0x38;
	[tilespmem:$0x1C000] =	vst v63  }
0x49: {  	s25 =	simm.s32 $0x8300  }
0x4a: {  	[tilespmem:s9], [sflag:$0x7] =	stream.indirect.gather [spmem:s2], $0x40, s25, s26, $0xb8;
	[tilespmem:$0x1C000] =	vst v63  }
0x4b: {  	_ =	swait.ge [sflag:s10], $0x2000  }
0x4c: {  	[sflag:s10] =	ssyncset.done $0x0  }
0x4d: {  	s22 =	rddreg [dreg:$0xa];
	[sflag:s10] =	ssyncadd.s32 $0xFFFFE000  }
0x4e: {  	[hbm4b:s22+s3] =	stream.linear.scatter [tilespmem:s4], [sflag:$0xD], $0x2000, $0x38;
	[tilespmem:$0x1C000] =	vst v63  }
0x4f: {  	s23 =	simm.s32 $0x8380  }
0x50: {  	[tilespmem:s11], [sflag:$0x8] =	stream.indirect.gather [spmem:s2], $0x40, s23, s26, $0xb8;
	[tilespmem:$0x1C000] =	vst v63  }
0x51: {  	_ =	swait.ge [sflag:s12], $0x2000  }
0x52: {  	[sflag:s12] =	ssyncset.done $0x0  }
0x53: {  	s25 =	rddreg [dreg:$0xb];
	[sflag:s12] =	ssyncadd.s32 $0xFFFFE000  }
0x54: {  	[hbm4b:s25+s3] =	stream.linear.scatter [tilespmem:s7], [sflag:$0xE], $0x2000, $0x38;
	[tilespmem:$0x1C000] =	vst v63  }
0x55: {  	_ =	swait.ge [sflag:s13], $0x2000  }
0x56: {  	[sflag:s13] =	ssyncset.done $0x0  }
0x57: {  	s22 =	simm.s32 $0x8400;
	[sflag:s13] =	ssyncadd.s32 $0xFFFFE000  }
0x58: {  	[tilespmem:s28], [sflag:$0x1] =	stream.indirect.gather [spmem:s2], $0x40, s22, s26, $0xb8;
	[tilespmem:$0x1C000] =	vst v63  }
0x59: {  	_ =	swait.ge [sflag:s14], $0x2000  }
0x5a: {  	[sflag:s14] =	ssyncset.done $0x0  }
0x5b: {  	s23 =	rddreg [dreg:$0xc];
	[sflag:s14] =	ssyncadd.s32 $0xFFFFE000  }
0x5c: {  	[hbm4b:s23+s3] =	stream.linear.scatter [tilespmem:s9], [sflag:$0xF], $0x2000, $0x38;
	[tilespmem:$0x1C000] =	vst v63  }
0x5d: {  	_ =	swait.ge [sflag:s15], $0x2000  }
0x5e: {  	[sflag:s15] =	ssyncset.done $0x0  }
0x5f: {  	s25 =	simm.s32 $0x8480;
	[sflag:s15] =	ssyncadd.s32 $0xFFFFE000  }
0x60: {  	[tilespmem:s30], [sflag:$0x2] =	stream.indirect.gather [spmem:s2], $0x40, s25, s26, $0xb8;
	[tilespmem:$0x1C000] =	vst v63  }
0x61: {  	_ =	swait.ge [sflag:s16], $0x2000  }
0x62: {  	[sflag:s16] =	ssyncset.done $0x0  }
0x63: {  	s22 =	rddreg [dreg:$0xd];
	[sflag:s16] =	ssyncadd.s32 $0xFFFFE000  }
0x64: {  	[hbm4b:s22+s3] =	stream.linear.scatter [tilespmem:s11], [sflag:$0x10], $0x2000, $0x38;
	[tilespmem:$0x1C000] =	vst v63  }
0x65: {  	_ =	swait.ge [sflag:s17], $0x2000  }
0x66: {  	[sflag:s17] =	ssyncset.done $0x0  }
0x67: {  	s23 =	simm.s32 $0x8500;
	[sflag:s17] =	ssyncadd.s32 $0xFFFFE000  }
0x68: {  	[tilespmem:s0], [sflag:$0x3] =	stream.indirect.gather [spmem:s2], $0x40, s23, s26, $0xb8;
	[tilespmem:$0x1C000] =	vst v63  }
0x69: {  	_ =	swait.ge [sflag:s1], $0x2000  }
0x6a: {  	[sflag:s1] =	ssyncset.done $0x0  }
0x6b: {  	s22 =	rddreg [dreg:$0x17];
	[sflag:s1] =	ssyncadd.s32 $0xFFFFE000  }
0x6c: {  	[hbm4b:s22+s3] =	stream.linear.scatter [tilespmem:s28], [sflag:$0x9], $0x2000, $0x38;
	[tilespmem:$0x1C000] =	vst v63  }
0x6d: {  	_ =	swait.ge [sflag:s18], $0x2000  }
0x6e: {  	[sflag:s18] =	ssyncset.done $0x0  }
0x6f: {  	s25 =	simm.s32 $0x8580;
	[sflag:s18] =	ssyncadd.s32 $0xFFFFE000  }
0x70: {  	[tilespmem:s31], [sflag:$0x4] =	stream.indirect.gather [spmem:s2], $0x40, s25, s26, $0xb8;
	[tilespmem:$0x1C000] =	vst v63  }
0x71: {  	_ =	swait.ge [sflag:s29], $0x2000  }
0x72: {  	[sflag:s29] =	ssyncset.done $0x0  }
0x73: {  	s23 =	sadd.s32 $0x400, s22;
	[sflag:s29] =	ssyncadd.s32 $0xFFFFE000  }
0x74: {  	[hbm4b:s23+s3] =	stream.linear.scatter [tilespmem:s30], [sflag:$0xA], $0x2000, $0x38;
	[tilespmem:$0x1C000] =	vst v63  }
0x75: {  	_ =	swait.ge [sflag:s19], $0x2000  }
0x76: {  	[sflag:s19] =	ssyncset.done $0x0  }
0x77: {  	s25 =	simm.s32 $0x8600;
	[sflag:s19] =	ssyncadd.s32 $0xFFFFE000  }
0x78: {  	[tilespmem:s4], [sflag:$0x5] =	stream.indirect.gather [spmem:s2], $0x40, s25, s26, $0xb8;
	[tilespmem:$0x1C000] =	vst v63  }
0x79: {  	_ =	swait.ge [sflag:s6], $0x2000  }
0x7a: {  	[sflag:s6] =	ssyncset.done $0x0  }
0x7b: {  	s23 =	sadd.s32 $0x800, s22;
	[sflag:s6] =	ssyncadd.s32 $0xFFFFE000  }
0x7c: {  	[hbm4b:s23+s3] =	stream.linear.scatter [tilespmem:s0], [sflag:$0xB], $0x2000, $0x38;
	[tilespmem:$0x1C000] =	vst v63  }
0x7d: {  	_ =	swait.ge [sflag:s20], $0x2000  }
0x7e: {  	[sflag:s20] =	ssyncset.done $0x0  }
0x7f: {  	s25 =	simm.s32 $0x8680;
	[sflag:s20] =	ssyncadd.s32 $0xFFFFE000  }
0x80: {  	[tilespmem:s7], [sflag:$0x6] =	stream.indirect.gather [spmem:s2], $0x40, s25, s26, $0xb8;
	[tilespmem:$0x1C000] =	vst v63  }
0x81: {  	_ =	swait.ge [sflag:s8], $0x2000  }
0x82: {  	[sflag:s8] =	ssyncset.done $0x0  }
0x83: {  	s23 =	sadd.s32 $0xC00, s22;
	[sflag:s8] =	ssyncadd.s32 $0xFFFFE000  }
0x84: {  	[hbm4b:s23+s3] =	stream.linear.scatter [tilespmem:s31], [sflag:$0xC], $0x2000, $0x38;
	[tilespmem:$0x1C000] =	vst v63  }
0x85: {  	_ =	swait.ge [sflag:s24], $0x2000  }
0x86: {  	[sflag:s24] =	ssyncset.done $0x0  }
0x87: {  	s25 =	simm.s32 $0x8700;
	[sflag:s24] =	ssyncadd.s32 $0xFFFFE000  }
0x88: {  	[tilespmem:s9], [sflag:$0x7] =	stream.indirect.gather [spmem:s2], $0x40, s25, s26, $0xb8;
	[tilespmem:$0x1C000] =	vst v63  }
0x89: {  	_ =	swait.ge [sflag:s10], $0x2000  }
0x8a: {  	[sflag:s10] =	ssyncset.done $0x0  }
0x8b: {  	s23 =	sadd.s32 $0x1000, s22;
	[sflag:s10] =	ssyncadd.s32 $0xFFFFE000  }
0x8c: {  	[hbm4b:s23+s3] =	stream.linear.scatter [tilespmem:s4], [sflag:$0xD], $0x2000, $0x38;
	[tilespmem:$0x1C000] =	vst v63  }
0x8d: {  	_ =	swait.ge [sflag:s21], $0x2000  }
0x8e: {  	[sflag:s21] =	ssyncset.done $0x0  }
0x8f: {  	s25 =	simm.s32 $0x8780;
	[sflag:s21] =	ssyncadd.s32 $0xFFFFE000  }
0x90: {  	[tilespmem:s11], [sflag:$0x8] =	stream.indirect.gather [spmem:s2], $0x40, s25, s26, $0xb8;
	[tilespmem:$0x1C000] =	vst v63  }
0x91: {  	_ =	swait.ge [sflag:s12], $0x2000  }
0x92: {  	[sflag:s12] =	ssyncset.done $0x0  }
0x93: {  	s23 =	sadd.s32 $0x1400, s22;
	[sflag:s12] =	ssyncadd.s32 $0xFFFFE000  }
0x94: {  	[hbm4b:s23+s3] =	stream.linear.scatter [tilespmem:s7], [sflag:$0xE], $0x2000, $0x38;
	[tilespmem:$0x1C000] =	vst v63  }
0x95: {  	_ =	swait.ge [sflag:s13], $0x2000  }
0x96: {  	[sflag:s13] =	ssyncset.done $0x0  }
0x97: {  	s25 =	simm.s32 $0x8800;
	[sflag:s13] =	ssyncadd.s32 $0xFFFFE000  }
0x98: {  	[tilespmem:s28], [sflag:$0x1] =	stream.indirect.gather [spmem:s2], $0x40, s25, s26, $0xb8;
	[tilespmem:$0x1C000] =	vst v63  }
0x99: {  	_ =	swait.ge [sflag:s14], $0x2000  }
0x9a: {  	[sflag:s14] =	ssyncset.done $0x0  }
0x9b: {  	s23 =	sadd.s32 $0x1800, s22;
	[sflag:s14] =	ssyncadd.s32 $0xFFFFE000  }
0x9c: {  	[hbm4b:s23+s3] =	stream.linear.scatter [tilespmem:s9], [sflag:$0xF], $0x2000, $0x38;
	[tilespmem:$0x1C000] =	vst v63  }
0x9d: {  	_ =	swait.ge [sflag:s15], $0x2000  }
0x9e: {  	[sflag:s15] =	ssyncset.done $0x0  }
0x9f: {  	s25 =	simm.s32 $0x8880;
	[sflag:s15] =	ssyncadd.s32 $0xFFFFE000  }
0xa0: {  	[tilespmem:s30], [sflag:$0x2] =	stream.indirect.gather [spmem:s2], $0x40, s25, s26, $0xb8;
	[tilespmem:$0x1C000] =	vst v63  }
0xa1: {  	_ =	swait.ge [sflag:s16], $0x2000  }
0xa2: {  	s5 =	simm.s32 $0x1000;
	[sflag:s16] =	ssyncset.done $0x0  }
0xa3: {  	s23 =	sadd.s32 $0x1C00, s22;
	s25 =	sadd.s32 $0x2000, s22;
	[sflag:s16] =	ssyncadd.s32 $0xFFFFE000  }
.LBB2_2:
0xa4: {  	[hbm4b:s23+s3] =	stream.linear.scatter [tilespmem:s11], [sflag:$0x10], $0x2000, $0x38;
	[tilespmem:$0x1C000] =	vst v63  }
0xa5: {  	s23 =	smov.u32 s5  }
0xa6: {  	p1 =	sne.s32 s5, $0xD000;
	s5 =	sadd.s32 $0x1000, s5;
	_ =	swait.ge [sflag:s17], $0x2000  }
0xa7: {  	s23 =	sshra.s32 s23, $0x2;
	[sflag:s17] =	ssyncset.done $0x0  }
0xa8: {  	s22 =	sadd.s32 $0x8500, s23;
	[sflag:s17] =	ssyncadd.s32 $0xFFFFE000  }
0xa9: {  	[tilespmem:s0], [sflag:$0x3] =	stream.indirect.gather [spmem:s2], $0x40, s22, s26, $0xb8;
	[tilespmem:$0x1C000] =	vst v63  }
0xaa: {  	_ =	swait.ge [sflag:s1], $0x2000  }
0xab: {  	[sflag:s1] =	ssyncset.done $0x0  }
0xac: {  	[sflag:s1] =	ssyncadd.s32 $0xFFFFE000  }
0xad: {  	[hbm4b:s25+s3] =	stream.linear.scatter [tilespmem:s28], [sflag:$0x9], $0x2000, $0x38;
	[tilespmem:$0x1C000] =	vst v63  }
0xae: {  	_ =	swait.ge [sflag:s18], $0x2000  }
0xaf: {  	[sflag:s18] =	ssyncset.done $0x0  }
0xb0: {  	s22 =	sadd.s32 $0x8580, s23;
	[sflag:s18] =	ssyncadd.s32 $0xFFFFE000  }
0xb1: {  	[tilespmem:s31], [sflag:$0x4] =	stream.indirect.gather [spmem:s2], $0x40, s22, s26, $0xb8;
	[tilespmem:$0x1C000] =	vst v63  }
0xb2: {  	_ =	swait.ge [sflag:s29], $0x2000  }
0xb3: {  	[sflag:s29] =	ssyncset.done $0x0  }
0xb4: {  	s22 =	sadd.s32 $0x400, s25;
	[sflag:s29] =	ssyncadd.s32 $0xFFFFE000  }
0xb5: {  	[hbm4b:s22+s3] =	stream.linear.scatter [tilespmem:s30], [sflag:$0xA], $0x2000, $0x38;
	[tilespmem:$0x1C000] =	vst v63  }
0xb6: {  	_ =	swait.ge [sflag:s19], $0x2000  }
0xb7: {  	[sflag:s19] =	ssyncset.done $0x0  }
0xb8: {  	s22 =	sadd.s32 $0x8600, s23;
	[sflag:s19] =	ssyncadd.s32 $0xFFFFE000  }
0xb9: {  	[tilespmem:s4], [sflag:$0x5] =	stream.indirect.gather [spmem:s2], $0x40, s22, s26, $0xb8;
	[tilespmem:$0x1C000] =	vst v63  }
0xba: {  	_ =	swait.ge [sflag:s6], $0x2000  }
0xbb: {  	[sflag:s6] =	ssyncset.done $0x0  }
0xbc: {  	s22 =	sadd.s32 $0x800, s25;
	[sflag:s6] =	ssyncadd.s32 $0xFFFFE000  }
0xbd: {  	[hbm4b:s22+s3] =	stream.linear.scatter [tilespmem:s0], [sflag:$0xB], $0x2000, $0x38;
	[tilespmem:$0x1C000] =	vst v63  }
0xbe: {  	_ =	swait.ge [sflag:s20], $0x2000  }
0xbf: {  	[sflag:s20] =	ssyncset.done $0x0  }
0xc0: {  	s22 =	sadd.s32 $0x8680, s23;
	[sflag:s20] =	ssyncadd.s32 $0xFFFFE000  }
0xc1: {  	[tilespmem:s7], [sflag:$0x6] =	stream.indirect.gather [spmem:s2], $0x40, s22, s26, $0xb8;
	[tilespmem:$0x1C000] =	vst v63  }
0xc2: {  	_ =	swait.ge [sflag:s8], $0x2000  }
0xc3: {  	[sflag:s8] =	ssyncset.done $0x0  }
0xc4: {  	s22 =	sadd.s32 $0xC00, s25;
	[sflag:s8] =	ssyncadd.s32 $0xFFFFE000  }
0xc5: {  	[hbm4b:s22+s3] =	stream.linear.scatter [tilespmem:s31], [sflag:$0xC], $0x2000, $0x38;
	[tilespmem:$0x1C000] =	vst v63  }
0xc6: {  	_ =	swait.ge [sflag:s24], $0x2000  }
0xc7: {  	[sflag:s24] =	ssyncset.done $0x0  }
0xc8: {  	s22 =	sadd.s32 $0x8700, s23;
	[sflag:s24] =	ssyncadd.s32 $0xFFFFE000  }
0xc9: {  	[tilespmem:s9], [sflag:$0x7] =	stream.indirect.gather [spmem:s2], $0x40, s22, s26, $0xb8;
	[tilespmem:$0x1C000] =	vst v63  }
0xca: {  	_ =	swait.ge [sflag:s10], $0x2000  }
0xcb: {  	[sflag:s10] =	ssyncset.done $0x0  }
0xcc: {  	s22 =	sadd.s32 $0x1000, s25;
	[sflag:s10] =	ssyncadd.s32 $0xFFFFE000  }
0xcd: {  	[hbm4b:s22+s3] =	stream.linear.scatter [tilespmem:s4], [sflag:$0xD], $0x2000, $0x38;
	[tilespmem:$0x1C000] =	vst v63  }
0xce: {  	_ =	swait.ge [sflag:s21], $0x2000  }
0xcf: {  	[sflag:s21] =	ssyncset.done $0x0  }
0xd0: {  	s22 =	sadd.s32 $0x8780, s23;
	[sflag:s21] =	ssyncadd.s32 $0xFFFFE000  }
0xd1: {  	[tilespmem:s11], [sflag:$0x8] =	stream.indirect.gather [spmem:s2], $0x40, s22, s26, $0xb8;
	[tilespmem:$0x1C000] =	vst v63  }
0xd2: {  	_ =	swait.ge [sflag:s12], $0x2000  }
0xd3: {  	[sflag:s12] =	ssyncset.done $0x0  }
0xd4: {  	s22 =	sadd.s32 $0x1400, s25;
	[sflag:s12] =	ssyncadd.s32 $0xFFFFE000  }
0xd5: {  	[hbm4b:s22+s3] =	stream.linear.scatter [tilespmem:s7], [sflag:$0xE], $0x2000, $0x38;
	[tilespmem:$0x1C000] =	vst v63  }
0xd6: {  	_ =	swait.ge [sflag:s13], $0x2000  }
0xd7: {  	[sflag:s13] =	ssyncset.done $0x0  }
0xd8: {  	s22 =	sadd.s32 $0x8800, s23;
	[sflag:s13] =	ssyncadd.s32 $0xFFFFE000  }
0xd9: {  	[tilespmem:s28], [sflag:$0x1] =	stream.indirect.gather [spmem:s2], $0x40, s22, s26, $0xb8;
	[tilespmem:$0x1C000] =	vst v63  }
0xda: {  	_ =	swait.ge [sflag:s14], $0x2000  }
0xdb: {  	[sflag:s14] =	ssyncset.done $0x0  }
0xdc: {  	s22 =	sadd.s32 $0x1800, s25;
	[sflag:s14] =	ssyncadd.s32 $0xFFFFE000  }
0xdd: {  	[hbm4b:s22+s3] =	stream.linear.scatter [tilespmem:s9], [sflag:$0xF], $0x2000, $0x38;
	[tilespmem:$0x1C000] =	vst v63  }
0xde: {  	_ =	swait.ge [sflag:s15], $0x2000  }
0xdf: {  	[sflag:s15] =	ssyncset.done $0x0  }
.Ltmp0:
0xe0: {  	s22 =	sadd.s32 $0x8880, s23;
	[sflag:s15] =	ssyncadd.s32 $0xFFFFE000;
	(pc) =	sbr.rel @p1 .LBB2_2-.Ltmp0, $4  }
0xe1: {  	[tilespmem:s30], [sflag:$0x2] =	stream.indirect.gather [spmem:s2], $0x40, s22, s26, $0xb8;
	[tilespmem:$0x1C000] =	vst v63  }
0xe2: {  	_ =	swait.ge [sflag:s16], $0x2000  }
0xe3: {  	[sflag:s16] =	ssyncset.done $0x0  }
0xe4: {  	s23 =	sadd.s32 $0x1C00, s25;
	s25 =	sadd.s32 $0x2000, s25;
	[sflag:s16] =	ssyncadd.s32 $0xFFFFE000  }
0xe5: {  	[hbm4b:s23+s3] =	stream.linear.scatter [tilespmem:s11], [sflag:$0x10], $0x2000, $0x38;
	[tilespmem:$0x1C000] =	vst v63  }
0xe6: {  	_ =	swait.ge [sflag:s17], $0x2000  }
0xe7: {  	[sflag:s17] =	ssyncset.done $0x0  }
0xe8: {  	s5 =	simm.s32 $0xBD00;
	[sflag:s17] =	ssyncadd.s32 $0xFFFFE000  }
0xe9: {  	[tilespmem:s0], [sflag:$0x3] =	stream.indirect.gather [spmem:s2], $0x40, s5, s26, $0xb8;
	[tilespmem:$0x1C000] =	vst v63  }
0xea: {  	_ =	swait.ge [sflag:s1], $0x2000  }
0xeb: {  	[sflag:s1] =	ssyncset.done $0x0  }
0xec: {  	s23 =	rddreg [dreg:$0xe];
	[sflag:s1] =	ssyncadd.s32 $0xFFFFE000  }
0xed: {  	[hbm4b:s23+s3] =	stream.linear.scatter [tilespmem:s28], [sflag:$0x9], $0x2000, $0x38;
	[tilespmem:$0x1C000] =	vst v63  }
0xee: {  	_ =	swait.ge [sflag:s18], $0x2000  }
0xef: {  	[sflag:s18] =	ssyncset.done $0x0  }
0xf0: {  	s25 =	simm.s32 $0xBD80;
	[sflag:s18] =	ssyncadd.s32 $0xFFFFE000  }
0xf1: {  	[tilespmem:s31], [sflag:$0x4] =	stream.indirect.gather [spmem:s2], $0x40, s25, s26, $0xb8;
	[tilespmem:$0x1C000] =	vst v63  }
0xf2: {  	_ =	swait.ge [sflag:s29], $0x2000  }
0xf3: {  	[sflag:s29] =	ssyncset.done $0x0  }
0xf4: {  	s22 =	rddreg [dreg:$0xf];
	[sflag:s29] =	ssyncadd.s32 $0xFFFFE000  }
0xf5: {  	[hbm4b:s22+s3] =	stream.linear.scatter [tilespmem:s30], [sflag:$0xA], $0x2000, $0x38;
	[tilespmem:$0x1C000] =	vst v63  }
0xf6: {  	_ =	swait.ge [sflag:s19], $0x2000  }
0xf7: {  	[sflag:s19] =	ssyncset.done $0x0  }
0xf8: {  	s23 =	simm.s32 $0xBE00;
	[sflag:s19] =	ssyncadd.s32 $0xFFFFE000  }
0xf9: {  	[tilespmem:s4], [sflag:$0x5] =	stream.indirect.gather [spmem:s2], $0x40, s23, s26, $0xb8;
	[tilespmem:$0x1C000] =	vst v63  }
0xfa: {  	_ =	swait.ge [sflag:s6], $0x2000  }
0xfb: {  	[sflag:s6] =	ssyncset.done $0x0  }
0xfc: {  	s25 =	rddreg [dreg:$0x10];
	[sflag:s6] =	ssyncadd.s32 $0xFFFFE000  }
0xfd: {  	[hbm4b:s25+s3] =	stream.linear.scatter [tilespmem:s0], [sflag:$0xB], $0x2000, $0x38;
	[tilespmem:$0x1C000] =	vst v63  }
0xfe: {  	_ =	swait.ge [sflag:s20], $0x2000  }
0xff: {  	[sflag:s20] =	ssyncset.done $0x0  }
0x100: {  	s22 =	simm.s32 $0xBE80;
	[sflag:s20] =	ssyncadd.s32 $0xFFFFE000  }
0x101: {  	[tilespmem:s7], [sflag:$0x6] =	stream.indirect.gather [spmem:s2], $0x40, s22, s26, $0xb8;
	[tilespmem:$0x1C000] =	vst v63  }
0x102: {  	_ =	swait.ge [sflag:s8], $0x2000  }
0x103: {  	[sflag:s8] =	ssyncset.done $0x0  }
0x104: {  	s23 =	rddreg [dreg:$0x11];
	[sflag:s8] =	ssyncadd.s32 $0xFFFFE000  }
0x105: {  	[hbm4b:s23+s3] =	stream.linear.scatter [tilespmem:s31], [sflag:$0xC], $0x2000, $0x38;
	[tilespmem:$0x1C000] =	vst v63  }
0x106: {  	_ =	swait.ge [sflag:s24], $0x2000  }
0x107: {  	[sflag:s24] =	ssyncset.done $0x0  }
0x108: {  	s25 =	simm.s32 $0xBF00;
	[sflag:s24] =	ssyncadd.s32 $0xFFFFE000  }
0x109: {  	[tilespmem:s9], [sflag:$0x7] =	stream.indirect.gather [spmem:s2], $0x40, s25, s26, $0xb8;
	[tilespmem:$0x1C000] =	vst v63  }
0x10a: {  	_ =	swait.ge [sflag:s10], $0x2000  }
0x10b: {  	[sflag:s10] =	ssyncset.done $0x0  }
0x10c: {  	s22 =	rddreg [dreg:$0x12];
	[sflag:s10] =	ssyncadd.s32 $0xFFFFE000  }
0x10d: {  	[hbm4b:s22+s3] =	stream.linear.scatter [tilespmem:s4], [sflag:$0xD], $0x2000, $0x38;
	[tilespmem:$0x1C000] =	vst v63  }
0x10e: {  	_ =	swait.ge [sflag:s21], $0x2000  }
0x10f: {  	[sflag:s21] =	ssyncset.done $0x0  }
0x110: {  	s23 =	simm.s32 $0xBF80;
	[sflag:s21] =	ssyncadd.s32 $0xFFFFE000  }
0x111: {  	[tilespmem:s11], [sflag:$0x8] =	stream.indirect.gather [spmem:s2], $0x40, s23, s26, $0xb8;
	[tilespmem:$0x1C000] =	vst v63  }
0x112: {  	_ =	swait.ge [sflag:s12], $0x2000  }
0x113: {  	[sflag:s12] =	ssyncset.done $0x0  }
0x114: {  	s25 =	rddreg [dreg:$0x13];
	[sflag:s12] =	ssyncadd.s32 $0xFFFFE000  }
0x115: {  	[hbm4b:s25+s3] =	stream.linear.scatter [tilespmem:s7], [sflag:$0xE], $0x2000, $0x38;
	[tilespmem:$0x1C000] =	vst v63  }
0x116: {  	_ =	swait.ge [sflag:s14], $0x2000  }
0x117: {  	[sflag:s14] =	ssyncset.done $0x0  }
0x118: {  	s22 =	rddreg [dreg:$0x14];
	[sflag:s14] =	ssyncadd.s32 $0xFFFFE000  }
0x119: {  	[hbm4b:s22+s3] =	stream.linear.scatter [tilespmem:s9], [sflag:$0xF], $0x2000, $0x38;
	[tilespmem:$0x1C000] =	vst v63  }
0x11a: {  	_ =	swait.ge [sflag:s16], $0x2000  }
0x11b: {  	[sflag:s16] =	ssyncset.done $0x0  }
0x11c: {  	s23 =	rddreg [dreg:$0x15];
	[sflag:s16] =	ssyncadd.s32 $0xFFFFE000  }
0x11d: {  	[hbm4b:s23+s3] =	stream.linear.scatter [tilespmem:s11], [sflag:$0x10], $0x2000, $0x38;
	[tilespmem:$0x1C000] =	vst v63  }
0x11e: {  	_ =	swait.ge [sflag:s13], $0x2000  }
0x11f: {  	[sflag:s13] =	ssyncset.done $0x0  }
0x120: {  	[sflag:s13] =	ssyncadd.s32 $0xFFFFE000  }
0x121: {  	_ =	swait.ge [sflag:s15], $0x2000  }
0x122: {  	[sflag:s15] =	ssyncset.done $0x0  }
0x123: {  	[sflag:s15] =	ssyncadd.s32 $0xFFFFE000  }
0x124: {  	_ =	swait.ge [sflag:s17], $0x2000  }
0x125: {  	[sflag:s17] =	ssyncset.done $0x0  }
0x126: {  	[sflag:s17] =	ssyncadd.s32 $0xFFFFE000  }
0x127: {  	_ =	swait.ge [sflag:s18], $0x2000  }
0x128: {  	[sflag:s18] =	ssyncset.done $0x0  }
0x129: {  	[sflag:s18] =	ssyncadd.s32 $0xFFFFE000  }
0x12a: {  	_ =	swait.ge [sflag:s19], $0x2000  }
0x12b: {  	[sflag:s19] =	ssyncset.done $0x0  }
0x12c: {  	[sflag:s19] =	ssyncadd.s32 $0xFFFFE000  }
0x12d: {  	_ =	swait.ge [sflag:s20], $0x2000  }
0x12e: {  	[sflag:s20] =	ssyncset.done $0x0  }
0x12f: {  	[sflag:s20] =	ssyncadd.s32 $0xFFFFE000  }
0x130: {  	_ =	swait.ge [sflag:s24], $0x2000  }
0x131: {  	[sflag:s24] =	ssyncset.done $0x0  }
0x132: {  	[sflag:s24] =	ssyncadd.s32 $0xFFFFE000  }
0x133: {  	_ =	swait.ge [sflag:s21], $0x2000  }
0x134: {  	s22 =	rddreg [dreg:$0x19]  }
0x135: {  	s25 =	rddreg [dreg:$0x16];
	s22 =	sadd.s32 $0x1, s22  }
0x136: {  	p1 =	sne.s32 s22, s25  }
.Ltmp1:
0x137: {  	_ = 	snop;
	(pc) =	sbr.rel @p1 .LBB2_1-.Ltmp1, $3  }
0x138: {  	_ =	sdelay $0x1  }
0x139: {  	[sflag:s21] =	ssyncset.done $0x0  }
0x13a: {  	[sflag:s21] =	ssyncadd.s32 $0xFFFFE000  }
0x13b: {  	_ =	sfence.sel $0x180000  }
0x13c: {  	[bflag:$0x0] =	sbarrier.arrive $0xFFFF  }
0x13d: {  	_ =	strace $0x90000047  }
0x13e: {  	[bflag:$0x2] =	sbarrier.arrive $0xFFFF  }
0x13f: {  	s0 =	rddreg [dreg:$0x4]  }
0x140: {  	s0 =	sadd.s32 @!p0 $0x100000, s0  }
0x141: {  	[sflag:s0] =	ssyncadd.tile.s32 @!p0 $0x1;
	_ =	shalt  }
.Lfunc_end2:
_tile_overlayer_lowered:
.L_overlay_start_2:
0x142: {  	(tag) =	ssettag $0x2  }
0x143: {  	s0 =	rddreg [dreg:$0x0];
	s2 =	stileid.u32  }
0x144: {  	s1 =	rddreg [dreg:$0x1];
	p0 =	sne.s32 s2, $0x0  }
0x145: {  	s3 =	rddreg [dreg:$0x2];
	[bflag:$0x3] =	sbarrier.arrive $0xFFFF;
	s2 =	simm.s32 @!p0 $0x1C11  }
0x146: {  	[timem:s3], [sflag:s2] =	dma.local @!p0 [hbm:s0], s1  }
0x147: {  	s0 =	simm.s32 @!p0 $0x11  }
0x148: {  	_ =	swait.ge @!p0 [sflag:s0], s1  }
0x149: {  	s1 =	ssub.s32 @!p0 $0x0, s1;
	[sflag:s0] =	ssyncset.done @!p0 $0x0  }
0x14a: {  	[sflag:s0] =	ssyncadd.s32 @!p0 s1  }
0x14b: {  	[bflag:$0x3] =	sbarrier.arrive $0xFFFF  }
0x14c: {  	_ =	shalt  }

</sc_bundles>
